<compile_context>
chip_gen: v7x
topology: tpu7x:2x2x1
jax: 0.10.2.dev20260603
libtpu: 0.0.44.dev20260713+nightly
codegen_flags: <defaults>
</compile_context>

<pallas_src>
import numpy as np
import ml_dtypes
import jax
import jax.numpy as jnp
from jax import lax
from jax.experimental import pallas as pl
from jax.experimental.pallas import tpu as pltpu
from jax.experimental.pallas import tpu_sc as plsc

BATCH = 2
SEQ = 4096
D = 2560
L = 16
NC, NS = 2, 16
NW = NC * NS
B_TOT = BATCH * SEQ
BPW = B_TOT // NW
C = 16
NCHUNK = BPW // C
VPR = D // L
WPB = SEQ // BPW

SCALE = float(np.array(np.sqrt(np.float32(D)), dtype=ml_dtypes.bfloat16).astype(np.float32))


def _scale_chunk(buf):
    @plsc.parallel_loop(0, VPR, 1)
    def col(j):
        sl = pl.ds(j * L, L)
        for r in range(C):
            buf[r, sl] = buf[r, sl] * SCALE


def _body(ids_hbm, table_hbm, out_hbm, idx_v, bufs, gsem, ssem):
    cid = lax.axis_index("c")
    sid = lax.axis_index("s")
    wid = sid * NC + cid
    brow = wid // WPB
    seq0 = (wid % WPB) * BPW

    pltpu.sync_copy(ids_hbm.at[brow, pl.ds(seq0, BPW)], idx_v)

    def gather_copy(c, b, make_only=False):
        src = table_hbm.at[idx_v.at[pl.ds(c * C, C)]]
        if make_only:
            return pltpu.make_async_copy(src, bufs.at[b], gsem)
        return pltpu.async_copy(src, bufs.at[b], gsem)

    def store_copy(c, b, make_only=False):
        dst = out_hbm.at[brow, pl.ds(seq0 + c * C, C), :]
        if make_only:
            return pltpu.make_async_copy(bufs.at[b], dst, ssem)
        return pltpu.async_copy(bufs.at[b], dst, ssem)

    gather_copy(0, 0)

    def chunk_step(c, carry):
        b = lax.rem(c, 2)
        o = 1 - b
        gather_copy(c, b, make_only=True).wait()

        @pl.when(c >= 1)
        def _drain_store():
            store_copy(c - 1, o, make_only=True).wait()

        @pl.when(c + 1 < NCHUNK)
        def _next_gather():
            gather_copy(c + 1, o)

        _scale_chunk(bufs.at[b])
        store_copy(c, b)
        return carry

    lax.fori_loop(0, NCHUNK, chunk_step, 0)
    store_copy(NCHUNK - 1, (NCHUNK - 1) % 2, make_only=True).wait()


def kernel(input_ids, embedding):
    ids = input_ids.astype(jnp.int32)
    k = pl.kernel(
        _body,
        out_type=jax.ShapeDtypeStruct((BATCH, SEQ, D), jnp.float32),
        mesh=plsc.VectorSubcoreMesh(core_axis_name="c", subcore_axis_name="s"),
        scratch_types=[
            pltpu.VMEM((BPW,), jnp.int32),
            pltpu.VMEM((2, C, D), jnp.float32),
            pltpu.SemaphoreType.DMA,
            pltpu.SemaphoreType.DMA,
        ],
    )
    return k(ids, embedding)

# --- scband reference (transcript-rebuilt; emitter-appended) ---
"""Pipeline reference for scband-gemma3-text-scaled-word-embedding-27650999451715 (READ-ONLY COPY).

The authoritative reference and input builder live on the scoring server;
editing this copy changes nothing except your own understanding.
"""

import jax, jax.numpy as jnp
import numpy as np

VOCAB_SIZE = 262208
HIDDEN_SIZE = 2560
BATCH = 2
SEQ_LEN = 4096


def setup_inputs(seed: int = 0) -> dict:
    key = jax.random.key(seed)
    k_ids, k_emb = jax.random.split(key)
    input_ids = jax.random.randint(k_ids, (BATCH, SEQ_LEN), 0, VOCAB_SIZE, dtype=jnp.int64 if jax.config.jax_enable_x64 else jnp.int32)
    # default_embed_init is variance-scaling normal with stddev ~ 1/sqrt(features)
    embedding = jax.random.normal(k_emb, (VOCAB_SIZE, HIDDEN_SIZE), dtype=jnp.float32) * (1.0 / np.sqrt(HIDDEN_SIZE))
    return {"input_ids": input_ids, "embedding": embedding}


def reference(input_ids, embedding):
    # Gemma3TextScaledWordEmbedding.__call__:
    #   x = embedding[input_ids] * embed_scale
    # embed_scale = float32(bfloat16(hidden_size ** 0.5))
    embed_scale = jnp.array(HIDDEN_SIZE ** 0.5, dtype=jnp.bfloat16).astype(jnp.float32)
    x = jnp.take(embedding, input_ids, axis=0)
    return x * embed_scale

if __name__ == "__main__":
    import jax
    _d = setup_inputs()
    print(jax.jit(kernel)(*tuple(_d.values())))

</pallas_src>

<mosaic_0001>
#map = affine_map<(d0, d1) -> (0, 0)>
#map1 = affine_map<(d0, d1) -> (0, 0, 0)>
module attributes {stable_mosaic.version = 14 : i64} {
  func.func @_body(%arg0: i32, %arg1: i32, %arg2: memref<2x4096xi32, #tpu.memory_space<hbm>>, %arg3: memref<262208x2560xf32, #tpu.memory_space<hbm>>, %arg4: memref<2x4096x2560xf32, #tpu.memory_space<hbm>>, %arg5: memref<256xi32, #tpu.memory_space<vmem>>, %arg6: memref<2x16x2560xf32, #tpu.memory_space<vmem>>, %arg7: memref<!tpu.dma_semaphore, #tpu.memory_space<semaphore_mem>>, %arg8: memref<!tpu.dma_semaphore, #tpu.memory_space<semaphore_mem>>) attributes {dimension_semantics = [#tpu.dimension_semantics<core_parallel>, #tpu.dimension_semantics<subcore_parallel>], iteration_bounds = array<i64: 2, 16>, scalar_prefetch = 0 : i64, scratch_operands = 4 : i64, tpu.core_type = #tpu.core_type<sc_vector_subcore>, window_params = [{transform_indices = #map}, {transform_indices = #map}, {transform_indices = #map1}]} {
    %mul3A = arith.constant 2 : i32
    %mul3A_0 = arith.muli %arg1, %mul3A : i32
    %add3A = arith.addi %mul3A_0, %arg0 : i32
    %jit3A = arith.constant 16 : i32
    %div3A = arith.divsi %add3A, %jit3A : i32
    %sign3A = arith.constant 0 : i32
    %sign3A_1 = arith.cmpi sgt, %add3A, %sign3A : i32
    %sign3A_2 = arith.extui %sign3A_1 : i1 to i32
    %sign3A_3 = arith.constant 0 : i32
    %sign3A_4 = arith.cmpi slt, %add3A, %sign3A_3 : i32
    %sign3A_5 = arith.extui %sign3A_4 : i1 to i32
    %sign3A_6 = arith.subi %sign3A_2, %sign3A_5 : i32
    %sign3A_7 = arith.constant 0 : i32
    %sign3A_8 = arith.cmpi sgt, %jit3A, %sign3A_7 : i32
    %sign3A_9 = arith.extui %sign3A_8 : i1 to i32
    %sign3A_10 = arith.constant 0 : i32
    %sign3A_11 = arith.cmpi slt, %jit3A, %sign3A_10 : i32
    %sign3A_12 = arith.extui %sign3A_11 : i1 to i32
    %sign3A_13 = arith.subi %sign3A_9, %sign3A_12 : i32
    %ne3A = arith.cmpi ne, %sign3A_6, %sign3A_13 : i32
    %rem3A = arith.remsi %add3A, %jit3A : i32
    %ne3A_14 = arith.constant 0 : i32
    %ne3A_15 = arith.cmpi ne, %rem3A, %ne3A_14 : i32
    %and3A = arith.andi %ne3A, %ne3A_15 : i1
    %sub3A = arith.constant 1 : i32
    %sub3A_16 = arith.subi %div3A, %sub3A : i32
    %select_n3A = arith.select %and3A, %sub3A_16, %div3A : i32
    %jit3A_17 = arith.constant 16 : i32
    %eq3A = arith.constant 0 : i32
    %eq3A_18 = arith.cmpi eq, %jit3A_17, %eq3A : i32
    %jit3A_19 = arith.constant 1 : i32
    %select_n3A_20 = arith.select %eq3A_18, %jit3A_19, %jit3A_17 : i32
    %rem3A_21 = arith.remsi %add3A, %select_n3A_20 : i32
    %ne3A_22 = arith.constant 0 : i32
    %ne3A_23 = arith.cmpi ne, %rem3A_21, %ne3A_22 : i32
    %lt3A = arith.constant 0 : i32
    %lt3A_24 = arith.cmpi slt, %rem3A_21, %lt3A : i32
    %lt3A_25 = arith.constant 0 : i32
    %lt3A_26 = arith.cmpi slt, %select_n3A_20, %lt3A_25 : i32
    %ne3A_27 = arith.xori %lt3A_24, %lt3A_26 : i1
    %and3A_28 = arith.andi %ne3A_27, %ne3A_23 : i1
    %add3A_29 = arith.addi %rem3A_21, %select_n3A_20 : i32
    %select_n3A_30 = arith.select %and3A_28, %add3A_29, %rem3A_21 : i32
    %mul3A_31 = arith.constant 256 : i32
    %mul3A_32 = arith.muli %select_n3A_30, %mul3A_31 : i32
    "tpu.region"() ({
      %run_scoped3A = tpu.sem_alloc : memref<!tpu.dma_semaphore, #tpu.memory_space<semaphore_mem>>
      %dma_start3A_63 = tpu.memref_slice %arg2[%select_n3A, %mul3A_32] : memref<2x4096xi32, #tpu.memory_space<hbm>> -> memref<1x256xi32, #tpu.memory_space<hbm>>
      %dma_start3A_64 = tpu.memref_squeeze %dma_start3A_63 : memref<1x256xi32, #tpu.memory_space<hbm>> -> memref<256xi32, #tpu.memory_space<hbm>>
      %dma_start3A_65 = tpu.memref_slice %arg2[%select_n3A, %mul3A_32] : memref<2x4096xi32, #tpu.memory_space<hbm>> -> memref<1x256xi32, #tpu.memory_space<hbm>>
      %dma_start3A_66 = tpu.memref_squeeze %dma_start3A_65 : memref<1x256xi32, #tpu.memory_space<hbm>> -> memref<256xi32, #tpu.memory_space<hbm>>
      tpu.enqueue_dma source(%dma_start3A_66 : memref<256xi32, #tpu.memory_space<hbm>>) target(%arg5 : memref<256xi32, #tpu.memory_space<vmem>>) target_semaphore(%run_scoped3A : memref<!tpu.dma_semaphore, #tpu.memory_space<semaphore_mem>>)
      %dma_wait3A_67 = tpu.memref_slice %arg2[%select_n3A, %mul3A_32] : memref<2x4096xi32, #tpu.memory_space<hbm>> -> memref<1x256xi32, #tpu.memory_space<hbm>>
      %dma_wait3A_68 = tpu.memref_squeeze %dma_wait3A_67 : memref<1x256xi32, #tpu.memory_space<hbm>> -> memref<256xi32, #tpu.memory_space<hbm>>
      %dma_wait3A_69 = tpu.memref_slice %arg2[%select_n3A, %mul3A_32] : memref<2x4096xi32, #tpu.memory_space<hbm>> -> memref<1x256xi32, #tpu.memory_space<hbm>>
      %dma_wait3A_70 = tpu.memref_squeeze %dma_wait3A_69 : memref<1x256xi32, #tpu.memory_space<hbm>> -> memref<256xi32, #tpu.memory_space<hbm>>
      tpu.wait_dma2 semaphore(%run_scoped3A : memref<!tpu.dma_semaphore, #tpu.memory_space<semaphore_mem>>) src(%dma_wait3A_70 : memref<256xi32, #tpu.memory_space<hbm>>) dst(%arg5 : memref<256xi32, #tpu.memory_space<vmem>>)
      tpu.yield
    }) : () -> ()
    %dma_start3A = arith.constant 0 : i32
    %dma_start3A_33 = arith.constant 0 : i32
    %dma_start3A_34 = arith.constant 0 : i32
    %dma_start3A_35 = tpu.memref_slice %arg6[%dma_start3A, %dma_start3A_33, %dma_start3A_34] : memref<2x16x2560xf32, #tpu.memory_space<vmem>> -> memref<1x16x2560xf32, #tpu.memory_space<vmem>>
    %dma_start3A_36 = tpu.memref_squeeze %dma_start3A_35 : memref<1x16x2560xf32, #tpu.memory_space<vmem>> -> memref<16x2560xf32, #tpu.memory_space<vmem>>
    %dma_start3A_37 = arith.constant 0 : i32
    %dma_start3A_38 = tpu.memref_slice %arg5[%dma_start3A_37] : memref<256xi32, #tpu.memory_space<vmem>> -> memref<16xi32, #tpu.memory_space<vmem>>
    %dma_start3A_39 = arith.constant 0 : i32
    %dma_start3A_40 = arith.constant 0 : i32
    %dma_start3A_41 = tpu.memref_slice %arg3[%dma_start3A_39, %dma_start3A_40] : memref<262208x2560xf32, #tpu.memory_space<hbm>> -> memref<262208x2560xf32, #tpu.memory_space<hbm>>
    tpu.enqueue_indirect_dma source(%dma_start3A_41 : memref<262208x2560xf32, #tpu.memory_space<hbm>>) target(%dma_start3A_36 : memref<16x2560xf32, #tpu.memory_space<vmem>>) offsets(%dma_start3A_38 : memref<16xi32, #tpu.memory_space<vmem>>) semaphore(%arg7 : memref<!tpu.dma_semaphore, #tpu.memory_space<semaphore_mem>>)
    %scan3A = arith.constant 0 : i32
    %scan3A_42 = arith.constant 0 : i32
    %scan3A_43 = arith.constant 16 : i32
    %scan3A_44 = arith.addi %scan3A_42, %scan3A_43 : i32
    %scan3A_45 = arith.constant 1 : i32
    scf.for %scan3A_63 = %scan3A_42 to %scan3A_44 step %scan3A_45  : i32 {
      %rem3A_64 = arith.constant 2 : i32
      %rem3A_65 = arith.remsi %scan3A_63, %rem3A_64 : i32
      %sub3A_66 = arith.constant 1 : i32
      %sub3A_67 = arith.subi %sub3A_66, %rem3A_65 : i32
      %mul3A_68 = arith.constant 16 : i32
      %mul3A_69 = arith.muli %scan3A_63, %mul3A_68 : i32
      %dma_wait3A_70 = arith.constant 0 : i32
      %dma_wait3A_71 = arith.constant 0 : i32
      %dma_wait3A_72 = tpu.memref_slice %arg6[%rem3A_65, %dma_wait3A_70, %dma_wait3A_71] : memref<2x16x2560xf32, #tpu.memory_space<vmem>> -> memref<1x16x2560xf32, #tpu.memory_space<vmem>>
      %dma_wait3A_73 = tpu.memref_squeeze %dma_wait3A_72 : memref<1x16x2560xf32, #tpu.memory_space<vmem>> -> memref<16x2560xf32, #tpu.memory_space<vmem>>
      %dma_wait3A_74 = tpu.memref_slice %arg5[%mul3A_69] : memref<256xi32, #tpu.memory_space<vmem>> -> memref<16xi32, #tpu.memory_space<vmem>>
      %dma_wait3A_75 = arith.constant 0 : i32
      %dma_wait3A_76 = arith.constant 0 : i32
      %dma_wait3A_77 = tpu.memref_slice %arg3[%dma_wait3A_75, %dma_wait3A_76] : memref<262208x2560xf32, #tpu.memory_space<hbm>> -> memref<262208x2560xf32, #tpu.memory_space<hbm>>
      tpu.wait_indirect_dma semaphore(%arg7 : memref<!tpu.dma_semaphore, #tpu.memory_space<semaphore_mem>>) src(%dma_wait3A_77 : memref<262208x2560xf32, #tpu.memory_space<hbm>>) dst(%dma_wait3A_73 : memref<16x2560xf32, #tpu.memory_space<vmem>>)
      %ge3A = arith.constant 1 : i32
      %ge3A_78 = arith.cmpi sge, %scan3A_63, %ge3A : i32
      %convert_element_type3A = arith.extui %ge3A_78 : i1 to i32
      %cond3A = arith.constant 0 : i32
      %cond3A_79 = arith.cmpi ne, %convert_element_type3A, %cond3A : i32
      scf.if %cond3A_79 {
        %sub3A_106 = arith.constant 1 : i32
        %sub3A_107 = arith.subi %scan3A_63, %sub3A_106 : i32
        %mul3A_108 = arith.constant 16 : i32
        %mul3A_109 = arith.muli %sub3A_107, %mul3A_108 : i32
        %add3A_110 = arith.addi %mul3A_32, %mul3A_109 : i32
        %dma_wait3A_111 = arith.constant 0 : i32
        %dma_wait3A_112 = arith.constant 0 : i32
        %dma_wait3A_113 = tpu.memref_slice %arg6[%sub3A_67, %dma_wait3A_111, %dma_wait3A_112] : memref<2x16x2560xf32, #tpu.memory_space<vmem>> -> memref<1x16x2560xf32, #tpu.memory_space<vmem>>
        %dma_wait3A_114 = tpu.memref_squeeze %dma_wait3A_113 : memref<1x16x2560xf32, #tpu.memory_space<vmem>> -> memref<16x2560xf32, #tpu.memory_space<vmem>>
        %dma_wait3A_115 = arith.constant 0 : i32
        %dma_wait3A_116 = tpu.memref_slice %arg4[%select_n3A, %add3A_110, %dma_wait3A_115] : memref<2x4096x2560xf32, #tpu.memory_space<hbm>> -> memref<1x16x2560xf32, #tpu.memory_space<hbm>>
        %dma_wait3A_117 = tpu.memref_squeeze %dma_wait3A_116 : memref<1x16x2560xf32, #tpu.memory_space<hbm>> -> memref<16x2560xf32, #tpu.memory_space<hbm>>
        %dma_wait3A_118 = arith.constant 0 : i32
        %dma_wait3A_119 = tpu.memref_slice %arg4[%select_n3A, %add3A_110, %dma_wait3A_118] : memref<2x4096x2560xf32, #tpu.memory_space<hbm>> -> memref<1x16x2560xf32, #tpu.memory_space<hbm>>
        %dma_wait3A_120 = tpu.memref_squeeze %dma_wait3A_119 : memref<1x16x2560xf32, #tpu.memory_space<hbm>> -> memref<16x2560xf32, #tpu.memory_space<hbm>>
        %dma_wait3A_121 = arith.constant 0 : i32
        %dma_wait3A_122 = arith.constant 0 : i32
        %dma_wait3A_123 = tpu.memref_slice %arg6[%sub3A_67, %dma_wait3A_121, %dma_wait3A_122] : memref<2x16x2560xf32, #tpu.memory_space<vmem>> -> memref<1x16x2560xf32, #tpu.memory_space<vmem>>
        %dma_wait3A_124 = tpu.memref_squeeze %dma_wait3A_123 : memref<1x16x2560xf32, #tpu.memory_space<vmem>> -> memref<16x2560xf32, #tpu.memory_space<vmem>>
        tpu.wait_dma2 semaphore(%arg8 : memref<!tpu.dma_semaphore, #tpu.memory_space<semaphore_mem>>) src(%dma_wait3A_124 : memref<16x2560xf32, #tpu.memory_space<vmem>>) dst(%dma_wait3A_120 : memref<16x2560xf32, #tpu.memory_space<hbm>>)
      } else {
      }
      %add3A_80 = arith.constant 1 : i32
      %add3A_81 = arith.addi %scan3A_63, %add3A_80 : i32
      %lt3A_82 = arith.constant 16 : i32
      %lt3A_83 = arith.cmpi slt, %add3A_81, %lt3A_82 : i32
      %convert_element_type3A_84 = arith.extui %lt3A_83 : i1 to i32
      %cond3A_85 = arith.constant 0 : i32
      %cond3A_86 = arith.cmpi ne, %convert_element_type3A_84, %cond3A_85 : i32
      scf.if %cond3A_86 {
        %add3A_106 = arith.constant 1 : i32
        %add3A_107 = arith.addi %scan3A_63, %add3A_106 : i32
        %mul3A_108 = arith.constant 16 : i32
        %mul3A_109 = arith.muli %add3A_107, %mul3A_108 : i32
        %dma_start3A_110 = arith.constant 0 : i32
        %dma_start3A_111 = arith.constant 0 : i32
        %dma_start3A_112 = tpu.memref_slice %arg6[%sub3A_67, %dma_start3A_110, %dma_start3A_111] : memref<2x16x2560xf32, #tpu.memory_space<vmem>> -> memref<1x16x2560xf32, #tpu.memory_space<vmem>>
        %dma_start3A_113 = tpu.memref_squeeze %dma_start3A_112 : memref<1x16x2560xf32, #tpu.memory_space<vmem>> -> memref<16x2560xf32, #tpu.memory_space<vmem>>
        %dma_start3A_114 = tpu.memref_slice %arg5[%mul3A_109] : memref<256xi32, #tpu.memory_space<vmem>> -> memref<16xi32, #tpu.memory_space<vmem>>
        %dma_start3A_115 = arith.constant 0 : i32
        %dma_start3A_116 = arith.constant 0 : i32
        %dma_start3A_117 = tpu.memref_slice %arg3[%dma_start3A_115, %dma_start3A_116] : memref<262208x2560xf32, #tpu.memory_space<hbm>> -> memref<262208x2560xf32, #tpu.memory_space<hbm>>
        tpu.enqueue_indirect_dma source(%dma_start3A_117 : memref<262208x2560xf32, #tpu.memory_space<hbm>>) target(%dma_start3A_113 : memref<16x2560xf32, #tpu.memory_space<vmem>>) offsets(%dma_start3A_114 : memref<16xi32, #tpu.memory_space<vmem>>) semaphore(%arg7 : memref<!tpu.dma_semaphore, #tpu.memory_space<semaphore_mem>>)
      } else {
      }
      %parallel_loop3A = arith.constant 0 : i32
      %parallel_loop3A_87 = arith.constant 160 : i32
      %parallel_loop3A_88 = arith.constant 1 : i32
      scf.for %parallel_loop3A_106 = %parallel_loop3A to %parallel_loop3A_87 step %parallel_loop3A_88  : i32 {
        %parallel_loop3A_107 = arith.constant 16 : i32
        %parallel_loop3A_108 = arith.muli %parallel_loop3A_106, %parallel_loop3A_107 : i32
        %parallel_loop3A_109 = arith.constant 0 : i32
        %parallel_loop3A_110 = arith.constant 0 : i32
        %parallel_loop3A_111 = arith.constant 0 : i32
        %parallel_loop3A_112 = tpu.memref_slice %arg6[%rem3A_65, %parallel_loop3A_110, %parallel_loop3A_111] : memref<2x16x2560xf32, #tpu.memory_space<vmem>> -> memref<1x16x2560xf32, #tpu.memory_space<vmem>>
        %parallel_loop3A_113 = tpu.memref_squeeze %parallel_loop3A_112 : memref<1x16x2560xf32, #tpu.memory_space<vmem>> -> memref<16x2560xf32, #tpu.memory_space<vmem>>
        %parallel_loop3A_114 = arith.index_cast %parallel_loop3A_109 : i32 to index
        %parallel_loop3A_115 = arith.index_cast %parallel_loop3A_108 : i32 to index
        %parallel_loop3A_116 = tpu.vector_load %parallel_loop3A_113[%parallel_loop3A_114, %parallel_loop3A_115] {strides = array<i32>} : memref<16x2560xf32, #tpu.memory_space<vmem>>, vector<1x16xf32>,
        %parallel_loop3A_117 = vector.shape_cast %parallel_loop3A_116 : vector<1x16xf32> to vector<16xf32>
        %parallel_loop3A_118 = arith.constant 5.050000e+01 : f32
        %parallel_loop3A_119 = vector.broadcast %parallel_loop3A_118 : f32 to vector<16xf32>
        %parallel_loop3A_120 = arith.mulf %parallel_loop3A_117, %parallel_loop3A_119 : vector<16xf32>
        %parallel_loop3A_121 = arith.constant 0 : i32
        %parallel_loop3A_122 = arith.constant 0 : i32
        %parallel_loop3A_123 = arith.constant 0 : i32
        %parallel_loop3A_124 = tpu.memref_slice %arg6[%rem3A_65, %parallel_loop3A_122, %parallel_loop3A_123] : memref<2x16x2560xf32, #tpu.memory_space<vmem>> -> memref<1x16x2560xf32, #tpu.memory_space<vmem>>
        %parallel_loop3A_125 = tpu.memref_squeeze %parallel_loop3A_124 : memref<1x16x2560xf32, #tpu.memory_space<vmem>> -> memref<16x2560xf32, #tpu.memory_space<vmem>>
        %parallel_loop3A_126 = arith.index_cast %parallel_loop3A_121 : i32 to index
        %parallel_loop3A_127 = arith.index_cast %parallel_loop3A_108 : i32 to index
        %parallel_loop3A_128 = tpu.vector_load %parallel_loop3A_125[%parallel_loop3A_126, %parallel_loop3A_127] {strides = array<i32>} : memref<16x2560xf32, #tpu.memory_space<vmem>>, vector<1x16xf32>,
        %parallel_loop3A_129 = vector.shape_cast %parallel_loop3A_128 : vector<1x16xf32> to vector<16xf32>
        %parallel_loop3A_130 = vector.shape_cast %parallel_loop3A_120 : vector<16xf32> to vector<1x16xf32>
        tpu.vector_store %parallel_loop3A_125[%parallel_loop3A_126, %parallel_loop3A_127], %parallel_loop3A_130 {strides = array<i32>} : memref<16x2560xf32, #tpu.memory_space<vmem>>, vector<1x16xf32>,
        %parallel_loop3A_131 = arith.constant 1 : i32
        %parallel_loop3A_132 = arith.constant 0 : i32
        %parallel_loop3A_133 = arith.constant 0 : i32
        %parallel_loop3A_134 = tpu.memref_slice %arg6[%rem3A_65, %parallel_loop3A_132, %parallel_loop3A_133] : memref<2x16x2560xf32, #tpu.memory_space<vmem>> -> memref<1x16x2560xf32, #tpu.memory_space<vmem>>
        %parallel_loop3A_135 = tpu.memref_squeeze %parallel_loop3A_134 : memref<1x16x2560xf32, #tpu.memory_space<vmem>> -> memref<16x2560xf32, #tpu.memory_space<vmem>>
        %parallel_loop3A_136 = arith.index_cast %parallel_loop3A_131 : i32 to index
        %parallel_loop3A_137 = arith.index_cast %parallel_loop3A_108 : i32 to index
        %parallel_loop3A_138 = tpu.vector_load %parallel_loop3A_135[%parallel_loop3A_136, %parallel_loop3A_137] {strides = array<i32>} : memref<16x2560xf32, #tpu.memory_space<vmem>>, vector<1x16xf32>,
        %parallel_loop3A_139 = vector.shape_cast %parallel_loop3A_138 : vector<1x16xf32> to vector<16xf32>
        %parallel_loop3A_140 = arith.constant 5.050000e+01 : f32
        %parallel_loop3A_141 = vector.broadcast %parallel_loop3A_140 : f32 to vector<16xf32>
        %parallel_loop3A_142 = arith.mulf %parallel_loop3A_139, %parallel_loop3A_141 : vector<16xf32>
        %parallel_loop3A_143 = arith.constant 1 : i32
        %parallel_loop3A_144 = arith.constant 0 : i32
        %parallel_loop3A_145 = arith.constant 0 : i32
        %parallel_loop3A_146 = tpu.memref_slice %arg6[%rem3A_65, %parallel_loop3A_144, %parallel_loop3A_145] : memref<2x16x2560xf32, #tpu.memory_space<vmem>> -> memref<1x16x2560xf32, #tpu.memory_space<vmem>>
        %parallel_loop3A_147 = tpu.memref_squeeze %parallel_loop3A_146 : memref<1x16x2560xf32, #tpu.memory_space<vmem>> -> memref<16x2560xf32, #tpu.memory_space<vmem>>
        %parallel_loop3A_148 = arith.index_cast %parallel_loop3A_143 : i32 to index
        %parallel_loop3A_149 = arith.index_cast %parallel_loop3A_108 : i32 to index
        %parallel_loop3A_150 = tpu.vector_load %parallel_loop3A_147[%parallel_loop3A_148, %parallel_loop3A_149] {strides = array<i32>} : memref<16x2560xf32, #tpu.memory_space<vmem>>, vector<1x16xf32>,
        %parallel_loop3A_151 = vector.shape_cast %parallel_loop3A_150 : vector<1x16xf32> to vector<16xf32>
        %parallel_loop3A_152 = vector.shape_cast %parallel_loop3A_142 : vector<16xf32> to vector<1x16xf32>
        tpu.vector_store %parallel_loop3A_147[%parallel_loop3A_148, %parallel_loop3A_149], %parallel_loop3A_152 {strides = array<i32>} : memref<16x2560xf32, #tpu.memory_space<vmem>>, vector<1x16xf32>,
        %parallel_loop3A_153 = arith.constant 2 : i32
        %parallel_loop3A_154 = arith.constant 0 : i32
        %parallel_loop3A_155 = arith.constant 0 : i32
        %parallel_loop3A_156 = tpu.memref_slice %arg6[%rem3A_65, %parallel_loop3A_154, %parallel_loop3A_155] : memref<2x16x2560xf32, #tpu.memory_space<vmem>> -> memref<1x16x2560xf32, #tpu.memory_space<vmem>>
        %parallel_loop3A_157 = tpu.memref_squeeze %parallel_loop3A_156 : memref<1x16x2560xf32, #tpu.memory_space<vmem>> -> memref<16x2560xf32, #tpu.memory_space<vmem>>
        %parallel_loop3A_158 = arith.index_cast %parallel_loop3A_153 : i32 to index
        %parallel_loop3A_159 = arith.index_cast %parallel_loop3A_108 : i32 to index
        %parallel_loop3A_160 = tpu.vector_load %parallel_loop3A_157[%parallel_loop3A_158, %parallel_loop3A_159] {strides = array<i32>} : memref<16x2560xf32, #tpu.memory_space<vmem>>, vector<1x16xf32>,
        %parallel_loop3A_161 = vector.shape_cast %parallel_loop3A_160 : vector<1x16xf32> to vector<16xf32>
        %parallel_loop3A_162 = arith.constant 5.050000e+01 : f32
        %parallel_loop3A_163 = vector.broadcast %parallel_loop3A_162 : f32 to vector<16xf32>
        %parallel_loop3A_164 = arith.mulf %parallel_loop3A_161, %parallel_loop3A_163 : vector<16xf32>
        %parallel_loop3A_165 = arith.constant 2 : i32
        %parallel_loop3A_166 = arith.constant 0 : i32
        %parallel_loop3A_167 = arith.constant 0 : i32
        %parallel_loop3A_168 = tpu.memref_slice %arg6[%rem3A_65, %parallel_loop3A_166, %parallel_loop3A_167] : memref<2x16x2560xf32, #tpu.memory_space<vmem>> -> memref<1x16x2560xf32, #tpu.memory_space<vmem>>
        %parallel_loop3A_169 = tpu.memref_squeeze %parallel_loop3A_168 : memref<1x16x2560xf32, #tpu.memory_space<vmem>> -> memref<16x2560xf32, #tpu.memory_space<vmem>>
        %parallel_loop3A_170 = arith.index_cast %parallel_loop3A_165 : i32 to index
        %parallel_loop3A_171 = arith.index_cast %parallel_loop3A_108 : i32 to index
        %parallel_loop3A_172 = tpu.vector_load %parallel_loop3A_169[%parallel_loop3A_170, %parallel_loop3A_171] {strides = array<i32>} : memref<16x2560xf32, #tpu.memory_space<vmem>>, vector<1x16xf32>,
        %parallel_loop3A_173 = vector.shape_cast %parallel_loop3A_172 : vector<1x16xf32> to vector<16xf32>
        %parallel_loop3A_174 = vector.shape_cast %parallel_loop3A_164 : vector<16xf32> to vector<1x16xf32>
        tpu.vector_store %parallel_loop3A_169[%parallel_loop3A_170, %parallel_loop3A_171], %parallel_loop3A_174 {strides = array<i32>} : memref<16x2560xf32, #tpu.memory_space<vmem>>, vector<1x16xf32>,
        %parallel_loop3A_175 = arith.constant 3 : i32
        %parallel_loop3A_176 = arith.constant 0 : i32
        %parallel_loop3A_177 = arith.constant 0 : i32
        %parallel_loop3A_178 = tpu.memref_slice %arg6[%rem3A_65, %parallel_loop3A_176, %parallel_loop3A_177] : memref<2x16x2560xf32, #tpu.memory_space<vmem>> -> memref<1x16x2560xf32, #tpu.memory_space<vmem>>
        %parallel_loop3A_179 = tpu.memref_squeeze %parallel_loop3A_178 : memref<1x16x2560xf32, #tpu.memory_space<vmem>> -> memref<16x2560xf32, #tpu.memory_space<vmem>>
        %parallel_loop3A_180 = arith.index_cast %parallel_loop3A_175 : i32 to index
        %parallel_loop3A_181 = arith.index_cast %parallel_loop3A_108 : i32 to index
        %parallel_loop3A_182 = tpu.vector_load %parallel_loop3A_179[%parallel_loop3A_180, %parallel_loop3A_181] {strides = array<i32>} : memref<16x2560xf32, #tpu.memory_space<vmem>>, vector<1x16xf32>,
        %parallel_loop3A_183 = vector.shape_cast %parallel_loop3A_182 : vector<1x16xf32> to vector<16xf32>
        %parallel_loop3A_184 = arith.constant 5.050000e+01 : f32
        %parallel_loop3A_185 = vector.broadcast %parallel_loop3A_184 : f32 to vector<16xf32>
        %parallel_loop3A_186 = arith.mulf %parallel_loop3A_183, %parallel_loop3A_185 : vector<16xf32>
        %parallel_loop3A_187 = arith.constant 3 : i32
        %parallel_loop3A_188 = arith.constant 0 : i32
        %parallel_loop3A_189 = arith.constant 0 : i32
        %parallel_loop3A_190 = tpu.memref_slice %arg6[%rem3A_65, %parallel_loop3A_188, %parallel_loop3A_189] : memref<2x16x2560xf32, #tpu.memory_space<vmem>> -> memref<1x16x2560xf32, #tpu.memory_space<vmem>>
        %parallel_loop3A_191 = tpu.memref_squeeze %parallel_loop3A_190 : memref<1x16x2560xf32, #tpu.memory_space<vmem>> -> memref<16x2560xf32, #tpu.memory_space<vmem>>
        %parallel_loop3A_192 = arith.index_cast %parallel_loop3A_187 : i32 to index
        %parallel_loop3A_193 = arith.index_cast %parallel_loop3A_108 : i32 to index
        %parallel_loop3A_194 = tpu.vector_load %parallel_loop3A_191[%parallel_loop3A_192, %parallel_loop3A_193] {strides = array<i32>} : memref<16x2560xf32, #tpu.memory_space<vmem>>, vector<1x16xf32>,
        %parallel_loop3A_195 = vector.shape_cast %parallel_loop3A_194 : vector<1x16xf32> to vector<16xf32>
        %parallel_loop3A_196 = vector.shape_cast %parallel_loop3A_186 : vector<16xf32> to vector<1x16xf32>
        tpu.vector_store %parallel_loop3A_191[%parallel_loop3A_192, %parallel_loop3A_193], %parallel_loop3A_196 {strides = array<i32>} : memref<16x2560xf32, #tpu.memory_space<vmem>>, vector<1x16xf32>,
        %parallel_loop3A_197 = arith.constant 4 : i32
        %parallel_loop3A_198 = arith.constant 0 : i32
        %parallel_loop3A_199 = arith.constant 0 : i32
        %parallel_loop3A_200 = tpu.memref_slice %arg6[%rem3A_65, %parallel_loop3A_198, %parallel_loop3A_199] : memref<2x16x2560xf32, #tpu.memory_space<vmem>> -> memref<1x16x2560xf32, #tpu.memory_space<vmem>>
        %parallel_loop3A_201 = tpu.memref_squeeze %parallel_loop3A_200 : memref<1x16x2560xf32, #tpu.memory_space<vmem>> -> memref<16x2560xf32, #tpu.memory_space<vmem>>
        %parallel_loop3A_202 = arith.index_cast %parallel_loop3A_197 : i32 to index
        %parallel_loop3A_203 = arith.index_cast %parallel_loop3A_108 : i32 to index
        %parallel_loop3A_204 = tpu.vector_load %parallel_loop3A_201[%parallel_loop3A_202, %parallel_loop3A_203] {strides = array<i32>} : memref<16x2560xf32, #tpu.memory_space<vmem>>, vector<1x16xf32>,
        %parallel_loop3A_205 = vector.shape_cast %parallel_loop3A_204 : vector<1x16xf32> to vector<16xf32>
        %parallel_loop3A_206 = arith.constant 5.050000e+01 : f32
        %parallel_loop3A_207 = vector.broadcast %parallel_loop3A_206 : f32 to vector<16xf32>
        %parallel_loop3A_208 = arith.mulf %parallel_loop3A_205, %parallel_loop3A_207 : vector<16xf32>
        %parallel_loop3A_209 = arith.constant 4 : i32
        %parallel_loop3A_210 = arith.constant 0 : i32
        %parallel_loop3A_211 = arith.constant 0 : i32
        %parallel_loop3A_212 = tpu.memref_slice %arg6[%rem3A_65, %parallel_loop3A_210, %parallel_loop3A_211] : memref<2x16x2560xf32, #tpu.memory_space<vmem>> -> memref<1x16x2560xf32, #tpu.memory_space<vmem>>
        %parallel_loop3A_213 = tpu.memref_squeeze %parallel_loop3A_212 : memref<1x16x2560xf32, #tpu.memory_space<vmem>> -> memref<16x2560xf32, #tpu.memory_space<vmem>>
        %parallel_loop3A_214 = arith.index_cast %parallel_loop3A_209 : i32 to index
        %parallel_loop3A_215 = arith.index_cast %parallel_loop3A_108 : i32 to index
        %parallel_loop3A_216 = tpu.vector_load %parallel_loop3A_213[%parallel_loop3A_214, %parallel_loop3A_215] {strides = array<i32>} : memref<16x2560xf32, #tpu.memory_space<vmem>>, vector<1x16xf32>,
        %parallel_loop3A_217 = vector.shape_cast %parallel_loop3A_216 : vector<1x16xf32> to vector<16xf32>
        %parallel_loop3A_218 = vector.shape_cast %parallel_loop3A_208 : vector<16xf32> to vector<1x16xf32>
        tpu.vector_store %parallel_loop3A_213[%parallel_loop3A_214, %parallel_loop3A_215], %parallel_loop3A_218 {strides = array<i32>} : memref<16x2560xf32, #tpu.memory_space<vmem>>, vector<1x16xf32>,
        %parallel_loop3A_219 = arith.constant 5 : i32
        %parallel_loop3A_220 = arith.constant 0 : i32
        %parallel_loop3A_221 = arith.constant 0 : i32
        %parallel_loop3A_222 = tpu.memref_slice %arg6[%rem3A_65, %parallel_loop3A_220, %parallel_loop3A_221] : memref<2x16x2560xf32, #tpu.memory_space<vmem>> -> memref<1x16x2560xf32, #tpu.memory_space<vmem>>
        %parallel_loop3A_223 = tpu.memref_squeeze %parallel_loop3A_222 : memref<1x16x2560xf32, #tpu.memory_space<vmem>> -> memref<16x2560xf32, #tpu.memory_space<vmem>>
        %parallel_loop3A_224 = arith.index_cast %parallel_loop3A_219 : i32 to index
        %parallel_loop3A_225 = arith.index_cast %parallel_loop3A_108 : i32 to index
        %parallel_loop3A_226 = tpu.vector_load %parallel_loop3A_223[%parallel_loop3A_224, %parallel_loop3A_225] {strides = array<i32>} : memref<16x2560xf32, #tpu.memory_space<vmem>>, vector<1x16xf32>,
        %parallel_loop3A_227 = vector.shape_cast %parallel_loop3A_226 : vector<1x16xf32> to vector<16xf32>
        %parallel_loop3A_228 = arith.constant 5.050000e+01 : f32
        %parallel_loop3A_229 = vector.broadcast %parallel_loop3A_228 : f32 to vector<16xf32>
        %parallel_loop3A_230 = arith.mulf %parallel_loop3A_227, %parallel_loop3A_229 : vector<16xf32>
        %parallel_loop3A_231 = arith.constant 5 : i32
        %parallel_loop3A_232 = arith.constant 0 : i32
        %parallel_loop3A_233 = arith.constant 0 : i32
        %parallel_loop3A_234 = tpu.memref_slice %arg6[%rem3A_65, %parallel_loop3A_232, %parallel_loop3A_233] : memref<2x16x2560xf32, #tpu.memory_space<vmem>> -> memref<1x16x2560xf32, #tpu.memory_space<vmem>>
        %parallel_loop3A_235 = tpu.memref_squeeze %parallel_loop3A_234 : memref<1x16x2560xf32, #tpu.memory_space<vmem>> -> memref<16x2560xf32, #tpu.memory_space<vmem>>
        %parallel_loop3A_236 = arith.index_cast %parallel_loop3A_231 : i32 to index
        %parallel_loop3A_237 = arith.index_cast %parallel_loop3A_108 : i32 to index
        %parallel_loop3A_238 = tpu.vector_load %parallel_loop3A_235[%parallel_loop3A_236, %parallel_loop3A_237] {strides = array<i32>} : memref<16x2560xf32, #tpu.memory_space<vmem>>, vector<1x16xf32>,
        %parallel_loop3A_239 = vector.shape_cast %parallel_loop3A_238 : vector<1x16xf32> to vector<16xf32>
        %parallel_loop3A_240 = vector.shape_cast %parallel_loop3A_230 : vector<16xf32> to vector<1x16xf32>
        tpu.vector_store %parallel_loop3A_235[%parallel_loop3A_236, %parallel_loop3A_237], %parallel_loop3A_240 {strides = array<i32>} : memref<16x2560xf32, #tpu.memory_space<vmem>>, vector<1x16xf32>,
        %parallel_loop3A_241 = arith.constant 6 : i32
        %parallel_loop3A_242 = arith.constant 0 : i32
        %parallel_loop3A_243 = arith.constant 0 : i32
        %parallel_loop3A_244 = tpu.memref_slice %arg6[%rem3A_65, %parallel_loop3A_242, %parallel_loop3A_243] : memref<2x16x2560xf32, #tpu.memory_space<vmem>> -> memref<1x16x2560xf32, #tpu.memory_space<vmem>>
        %parallel_loop3A_245 = tpu.memref_squeeze %parallel_loop3A_244 : memref<1x16x2560xf32, #tpu.memory_space<vmem>> -> memref<16x2560xf32, #tpu.memory_space<vmem>>
        %parallel_loop3A_246 = arith.index_cast %parallel_loop3A_241 : i32 to index
        %parallel_loop3A_247 = arith.index_cast %parallel_loop3A_108 : i32 to index
        %parallel_loop3A_248 = tpu.vector_load %parallel_loop3A_245[%parallel_loop3A_246, %parallel_loop3A_247] {strides = array<i32>} : memref<16x2560xf32, #tpu.memory_space<vmem>>, vector<1x16xf32>,
        %parallel_loop3A_249 = vector.shape_cast %parallel_loop3A_248 : vector<1x16xf32> to vector<16xf32>
        %parallel_loop3A_250 = arith.constant 5.050000e+01 : f32
        %parallel_loop3A_251 = vector.broadcast %parallel_loop3A_250 : f32 to vector<16xf32>
        %parallel_loop3A_252 = arith.mulf %parallel_loop3A_249, %parallel_loop3A_251 : vector<16xf32>
        %parallel_loop3A_253 = arith.constant 6 : i32
        %parallel_loop3A_254 = arith.constant 0 : i32
        %parallel_loop3A_255 = arith.constant 0 : i32
        %parallel_loop3A_256 = tpu.memref_slice %arg6[%rem3A_65, %parallel_loop3A_254, %parallel_loop3A_255] : memref<2x16x2560xf32, #tpu.memory_space<vmem>> -> memref<1x16x2560xf32, #tpu.memory_space<vmem>>
        %parallel_loop3A_257 = tpu.memref_squeeze %parallel_loop3A_256 : memref<1x16x2560xf32, #tpu.memory_space<vmem>> -> memref<16x2560xf32, #tpu.memory_space<vmem>>
        %parallel_loop3A_258 = arith.index_cast %parallel_loop3A_253 : i32 to index
        %parallel_loop3A_259 = arith.index_cast %parallel_loop3A_108 : i32 to index
        %parallel_loop3A_260 = tpu.vector_load %parallel_loop3A_257[%parallel_loop3A_258, %parallel_loop3A_259] {strides = array<i32>} : memref<16x2560xf32, #tpu.memory_space<vmem>>, vector<1x16xf32>,
        %parallel_loop3A_261 = vector.shape_cast %parallel_loop3A_260 : vector<1x16xf32> to vector<16xf32>
        %parallel_loop3A_262 = vector.shape_cast %parallel_loop3A_252 : vector<16xf32> to vector<1x16xf32>
        tpu.vector_store %parallel_loop3A_257[%parallel_loop3A_258, %parallel_loop3A_259], %parallel_loop3A_262 {strides = array<i32>} : memref<16x2560xf32, #tpu.memory_space<vmem>>, vector<1x16xf32>,
        %parallel_loop3A_263 = arith.constant 7 : i32
        %parallel_loop3A_264 = arith.constant 0 : i32
        %parallel_loop3A_265 = arith.constant 0 : i32
        %parallel_loop3A_266 = tpu.memref_slice %arg6[%rem3A_65, %parallel_loop3A_264, %parallel_loop3A_265] : memref<2x16x2560xf32, #tpu.memory_space<vmem>> -> memref<1x16x2560xf32, #tpu.memory_space<vmem>>
        %parallel_loop3A_267 = tpu.memref_squeeze %parallel_loop3A_266 : memref<1x16x2560xf32, #tpu.memory_space<vmem>> -> memref<16x2560xf32, #tpu.memory_space<vmem>>
        %parallel_loop3A_268 = arith.index_cast %parallel_loop3A_263 : i32 to index
        %parallel_loop3A_269 = arith.index_cast %parallel_loop3A_108 : i32 to index
        %parallel_loop3A_270 = tpu.vector_load %parallel_loop3A_267[%parallel_loop3A_268, %parallel_loop3A_269] {strides = array<i32>} : memref<16x2560xf32, #tpu.memory_space<vmem>>, vector<1x16xf32>,
        %parallel_loop3A_271 = vector.shape_cast %parallel_loop3A_270 : vector<1x16xf32> to vector<16xf32>
        %parallel_loop3A_272 = arith.constant 5.050000e+01 : f32
        %parallel_loop3A_273 = vector.broadcast %parallel_loop3A_272 : f32 to vector<16xf32>
        %parallel_loop3A_274 = arith.mulf %parallel_loop3A_271, %parallel_loop3A_273 : vector<16xf32>
        %parallel_loop3A_275 = arith.constant 7 : i32
        %parallel_loop3A_276 = arith.constant 0 : i32
        %parallel_loop3A_277 = arith.constant 0 : i32
        %parallel_loop3A_278 = tpu.memref_slice %arg6[%rem3A_65, %parallel_loop3A_276, %parallel_loop3A_277] : memref<2x16x2560xf32, #tpu.memory_space<vmem>> -> memref<1x16x2560xf32, #tpu.memory_space<vmem>>
        %parallel_loop3A_279 = tpu.memref_squeeze %parallel_loop3A_278 : memref<1x16x2560xf32, #tpu.memory_space<vmem>> -> memref<16x2560xf32, #tpu.memory_space<vmem>>
        %parallel_loop3A_280 = arith.index_cast %parallel_loop3A_275 : i32 to index
        %parallel_loop3A_281 = arith.index_cast %parallel_loop3A_108 : i32 to index
        %parallel_loop3A_282 = tpu.vector_load %parallel_loop3A_279[%parallel_loop3A_280, %parallel_loop3A_281] {strides = array<i32>} : memref<16x2560xf32, #tpu.memory_space<vmem>>, vector<1x16xf32>,
        %parallel_loop3A_283 = vector.shape_cast %parallel_loop3A_282 : vector<1x16xf32> to vector<16xf32>
        %parallel_loop3A_284 = vector.shape_cast %parallel_loop3A_274 : vector<16xf32> to vector<1x16xf32>
        tpu.vector_store %parallel_loop3A_279[%parallel_loop3A_280, %parallel_loop3A_281], %parallel_loop3A_284 {strides = array<i32>} : memref<16x2560xf32, #tpu.memory_space<vmem>>, vector<1x16xf32>,
        %parallel_loop3A_285 = arith.constant 8 : i32
        %parallel_loop3A_286 = arith.constant 0 : i32
        %parallel_loop3A_287 = arith.constant 0 : i32
        %parallel_loop3A_288 = tpu.memref_slice %arg6[%rem3A_65, %parallel_loop3A_286, %parallel_loop3A_287] : memref<2x16x2560xf32, #tpu.memory_space<vmem>> -> memref<1x16x2560xf32, #tpu.memory_space<vmem>>
        %parallel_loop3A_289 = tpu.memref_squeeze %parallel_loop3A_288 : memref<1x16x2560xf32, #tpu.memory_space<vmem>> -> memref<16x2560xf32, #tpu.memory_space<vmem>>
        %parallel_loop3A_290 = arith.index_cast %parallel_loop3A_285 : i32 to index
        %parallel_loop3A_291 = arith.index_cast %parallel_loop3A_108 : i32 to index
        %parallel_loop3A_292 = tpu.vector_load %parallel_loop3A_289[%parallel_loop3A_290, %parallel_loop3A_291] {strides = array<i32>} : memref<16x2560xf32, #tpu.memory_space<vmem>>, vector<1x16xf32>,
        %parallel_loop3A_293 = vector.shape_cast %parallel_loop3A_292 : vector<1x16xf32> to vector<16xf32>
        %parallel_loop3A_294 = arith.constant 5.050000e+01 : f32
        %parallel_loop3A_295 = vector.broadcast %parallel_loop3A_294 : f32 to vector<16xf32>
        %parallel_loop3A_296 = arith.mulf %parallel_loop3A_293, %parallel_loop3A_295 : vector<16xf32>
        %parallel_loop3A_297 = arith.constant 8 : i32
        %parallel_loop3A_298 = arith.constant 0 : i32
        %parallel_loop3A_299 = arith.constant 0 : i32
        %parallel_loop3A_300 = tpu.memref_slice %arg6[%rem3A_65, %parallel_loop3A_298, %parallel_loop3A_299] : memref<2x16x2560xf32, #tpu.memory_space<vmem>> -> memref<1x16x2560xf32, #tpu.memory_space<vmem>>
        %parallel_loop3A_301 = tpu.memref_squeeze %parallel_loop3A_300 : memref<1x16x2560xf32, #tpu.memory_space<vmem>> -> memref<16x2560xf32, #tpu.memory_space<vmem>>
        %parallel_loop3A_302 = arith.index_cast %parallel_loop3A_297 : i32 to index
        %parallel_loop3A_303 = arith.index_cast %parallel_loop3A_108 : i32 to index
        %parallel_loop3A_304 = tpu.vector_load %parallel_loop3A_301[%parallel_loop3A_302, %parallel_loop3A_303] {strides = array<i32>} : memref<16x2560xf32, #tpu.memory_space<vmem>>, vector<1x16xf32>,
        %parallel_loop3A_305 = vector.shape_cast %parallel_loop3A_304 : vector<1x16xf32> to vector<16xf32>
        %parallel_loop3A_306 = vector.shape_cast %parallel_loop3A_296 : vector<16xf32> to vector<1x16xf32>
        tpu.vector_store %parallel_loop3A_301[%parallel_loop3A_302, %parallel_loop3A_303], %parallel_loop3A_306 {strides = array<i32>} : memref<16x2560xf32, #tpu.memory_space<vmem>>, vector<1x16xf32>,
        %parallel_loop3A_307 = arith.constant 9 : i32
        %parallel_loop3A_308 = arith.constant 0 : i32
        %parallel_loop3A_309 = arith.constant 0 : i32
        %parallel_loop3A_310 = tpu.memref_slice %arg6[%rem3A_65, %parallel_loop3A_308, %parallel_loop3A_309] : memref<2x16x2560xf32, #tpu.memory_space<vmem>> -> memref<1x16x2560xf32, #tpu.memory_space<vmem>>
        %parallel_loop3A_311 = tpu.memref_squeeze %parallel_loop3A_310 : memref<1x16x2560xf32, #tpu.memory_space<vmem>> -> memref<16x2560xf32, #tpu.memory_space<vmem>>
        %parallel_loop3A_312 = arith.index_cast %parallel_loop3A_307 : i32 to index
        %parallel_loop3A_313 = arith.index_cast %parallel_loop3A_108 : i32 to index
        %parallel_loop3A_314 = tpu.vector_load %parallel_loop3A_311[%parallel_loop3A_312, %parallel_loop3A_313] {strides = array<i32>} : memref<16x2560xf32, #tpu.memory_space<vmem>>, vector<1x16xf32>,
        %parallel_loop3A_315 = vector.shape_cast %parallel_loop3A_314 : vector<1x16xf32> to vector<16xf32>
        %parallel_loop3A_316 = arith.constant 5.050000e+01 : f32
        %parallel_loop3A_317 = vector.broadcast %parallel_loop3A_316 : f32 to vector<16xf32>
        %parallel_loop3A_318 = arith.mulf %parallel_loop3A_315, %parallel_loop3A_317 : vector<16xf32>
        %parallel_loop3A_319 = arith.constant 9 : i32
        %parallel_loop3A_320 = arith.constant 0 : i32
        %parallel_loop3A_321 = arith.constant 0 : i32
        %parallel_loop3A_322 = tpu.memref_slice %arg6[%rem3A_65, %parallel_loop3A_320, %parallel_loop3A_321] : memref<2x16x2560xf32, #tpu.memory_space<vmem>> -> memref<1x16x2560xf32, #tpu.memory_space<vmem>>
        %parallel_loop3A_323 = tpu.memref_squeeze %parallel_loop3A_322 : memref<1x16x2560xf32, #tpu.memory_space<vmem>> -> memref<16x2560xf32, #tpu.memory_space<vmem>>
        %parallel_loop3A_324 = arith.index_cast %parallel_loop3A_319 : i32 to index
        %parallel_loop3A_325 = arith.index_cast %parallel_loop3A_108 : i32 to index
        %parallel_loop3A_326 = tpu.vector_load %parallel_loop3A_323[%parallel_loop3A_324, %parallel_loop3A_325] {strides = array<i32>} : memref<16x2560xf32, #tpu.memory_space<vmem>>, vector<1x16xf32>,
        %parallel_loop3A_327 = vector.shape_cast %parallel_loop3A_326 : vector<1x16xf32> to vector<16xf32>
        %parallel_loop3A_328 = vector.shape_cast %parallel_loop3A_318 : vector<16xf32> to vector<1x16xf32>
        tpu.vector_store %parallel_loop3A_323[%parallel_loop3A_324, %parallel_loop3A_325], %parallel_loop3A_328 {strides = array<i32>} : memref<16x2560xf32, #tpu.memory_space<vmem>>, vector<1x16xf32>,
        %parallel_loop3A_329 = arith.constant 10 : i32
        %parallel_loop3A_330 = arith.constant 0 : i32
        %parallel_loop3A_331 = arith.constant 0 : i32
        %parallel_loop3A_332 = tpu.memref_slice %arg6[%rem3A_65, %parallel_loop3A_330, %parallel_loop3A_331] : memref<2x16x2560xf32, #tpu.memory_space<vmem>> -> memref<1x16x2560xf32, #tpu.memory_space<vmem>>
        %parallel_loop3A_333 = tpu.memref_squeeze %parallel_loop3A_332 : memref<1x16x2560xf32, #tpu.memory_space<vmem>> -> memref<16x2560xf32, #tpu.memory_space<vmem>>
        %parallel_loop3A_334 = arith.index_cast %parallel_loop3A_329 : i32 to index
        %parallel_loop3A_335 = arith.index_cast %parallel_loop3A_108 : i32 to index
        %parallel_loop3A_336 = tpu.vector_load %parallel_loop3A_333[%parallel_loop3A_334, %parallel_loop3A_335] {strides = array<i32>} : memref<16x2560xf32, #tpu.memory_space<vmem>>, vector<1x16xf32>,
        %parallel_loop3A_337 = vector.shape_cast %parallel_loop3A_336 : vector<1x16xf32> to vector<16xf32>
        %parallel_loop3A_338 = arith.constant 5.050000e+01 : f32
        %parallel_loop3A_339 = vector.broadcast %parallel_loop3A_338 : f32 to vector<16xf32>
        %parallel_loop3A_340 = arith.mulf %parallel_loop3A_337, %parallel_loop3A_339 : vector<16xf32>
        %parallel_loop3A_341 = arith.constant 10 : i32
        %parallel_loop3A_342 = arith.constant 0 : i32
        %parallel_loop3A_343 = arith.constant 0 : i32
        %parallel_loop3A_344 = tpu.memref_slice %arg6[%rem3A_65, %parallel_loop3A_342, %parallel_loop3A_343] : memref<2x16x2560xf32, #tpu.memory_space<vmem>> -> memref<1x16x2560xf32, #tpu.memory_space<vmem>>
        %parallel_loop3A_345 = tpu.memref_squeeze %parallel_loop3A_344 : memref<1x16x2560xf32, #tpu.memory_space<vmem>> -> memref<16x2560xf32, #tpu.memory_space<vmem>>
        %parallel_loop3A_346 = arith.index_cast %parallel_loop3A_341 : i32 to index
        %parallel_loop3A_347 = arith.index_cast %parallel_loop3A_108 : i32 to index
        %parallel_loop3A_348 = tpu.vector_load %parallel_loop3A_345[%parallel_loop3A_346, %parallel_loop3A_347] {strides = array<i32>} : memref<16x2560xf32, #tpu.memory_space<vmem>>, vector<1x16xf32>,
        %parallel_loop3A_349 = vector.shape_cast %parallel_loop3A_348 : vector<1x16xf32> to vector<16xf32>
        %parallel_loop3A_350 = vector.shape_cast %parallel_loop3A_340 : vector<16xf32> to vector<1x16xf32>
        tpu.vector_store %parallel_loop3A_345[%parallel_loop3A_346, %parallel_loop3A_347], %parallel_loop3A_350 {strides = array<i32>} : memref<16x2560xf32, #tpu.memory_space<vmem>>, vector<1x16xf32>,
        %parallel_loop3A_351 = arith.constant 11 : i32
        %parallel_loop3A_352 = arith.constant 0 : i32
        %parallel_loop3A_353 = arith.constant 0 : i32
        %parallel_loop3A_354 = tpu.memref_slice %arg6[%rem3A_65, %parallel_loop3A_352, %parallel_loop3A_353] : memref<2x16x2560xf32, #tpu.memory_space<vmem>> -> memref<1x16x2560xf32, #tpu.memory_space<vmem>>
        %parallel_loop3A_355 = tpu.memref_squeeze %parallel_loop3A_354 : memref<1x16x2560xf32, #tpu.memory_space<vmem>> -> memref<16x2560xf32, #tpu.memory_space<vmem>>
        %parallel_loop3A_356 = arith.index_cast %parallel_loop3A_351 : i32 to index
        %parallel_loop3A_357 = arith.index_cast %parallel_loop3A_108 : i32 to index
        %parallel_loop3A_358 = tpu.vector_load %parallel_loop3A_355[%parallel_loop3A_356, %parallel_loop3A_357] {strides = array<i32>} : memref<16x2560xf32, #tpu.memory_space<vmem>>, vector<1x16xf32>,
        %parallel_loop3A_359 = vector.shape_cast %parallel_loop3A_358 : vector<1x16xf32> to vector<16xf32>
        %parallel_loop3A_360 = arith.constant 5.050000e+01 : f32
        %parallel_loop3A_361 = vector.broadcast %parallel_loop3A_360 : f32 to vector<16xf32>
        %parallel_loop3A_362 = arith.mulf %parallel_loop3A_359, %parallel_loop3A_361 : vector<16xf32>
        %parallel_loop3A_363 = arith.constant 11 : i32
        %parallel_loop3A_364 = arith.constant 0 : i32
        %parallel_loop3A_365 = arith.constant 0 : i32
        %parallel_loop3A_366 = tpu.memref_slice %arg6[%rem3A_65, %parallel_loop3A_364, %parallel_loop3A_365] : memref<2x16x2560xf32, #tpu.memory_space<vmem>> -> memref<1x16x2560xf32, #tpu.memory_space<vmem>>
        %parallel_loop3A_367 = tpu.memref_squeeze %parallel_loop3A_366 : memref<1x16x2560xf32, #tpu.memory_space<vmem>> -> memref<16x2560xf32, #tpu.memory_space<vmem>>
        %parallel_loop3A_368 = arith.index_cast %parallel_loop3A_363 : i32 to index
        %parallel_loop3A_369 = arith.index_cast %parallel_loop3A_108 : i32 to index
        %parallel_loop3A_370 = tpu.vector_load %parallel_loop3A_367[%parallel_loop3A_368, %parallel_loop3A_369] {strides = array<i32>} : memref<16x2560xf32, #tpu.memory_space<vmem>>, vector<1x16xf32>,
        %parallel_loop3A_371 = vector.shape_cast %parallel_loop3A_370 : vector<1x16xf32> to vector<16xf32>
        %parallel_loop3A_372 = vector.shape_cast %parallel_loop3A_362 : vector<16xf32> to vector<1x16xf32>
        tpu.vector_store %parallel_loop3A_367[%parallel_loop3A_368, %parallel_loop3A_369], %parallel_loop3A_372 {strides = array<i32>} : memref<16x2560xf32, #tpu.memory_space<vmem>>, vector<1x16xf32>,
        %parallel_loop3A_373 = arith.constant 12 : i32
        %parallel_loop3A_374 = arith.constant 0 : i32
        %parallel_loop3A_375 = arith.constant 0 : i32
        %parallel_loop3A_376 = tpu.memref_slice %arg6[%rem3A_65, %parallel_loop3A_374, %parallel_loop3A_375] : memref<2x16x2560xf32, #tpu.memory_space<vmem>> -> memref<1x16x2560xf32, #tpu.memory_space<vmem>>
        %parallel_loop3A_377 = tpu.memref_squeeze %parallel_loop3A_376 : memref<1x16x2560xf32, #tpu.memory_space<vmem>> -> memref<16x2560xf32, #tpu.memory_space<vmem>>
        %parallel_loop3A_378 = arith.index_cast %parallel_loop3A_373 : i32 to index
        %parallel_loop3A_379 = arith.index_cast %parallel_loop3A_108 : i32 to index
        %parallel_loop3A_380 = tpu.vector_load %parallel_loop3A_377[%parallel_loop3A_378, %parallel_loop3A_379] {strides = array<i32>} : memref<16x2560xf32, #tpu.memory_space<vmem>>, vector<1x16xf32>,
        %parallel_loop3A_381 = vector.shape_cast %parallel_loop3A_380 : vector<1x16xf32> to vector<16xf32>
        %parallel_loop3A_382 = arith.constant 5.050000e+01 : f32
        %parallel_loop3A_383 = vector.broadcast %parallel_loop3A_382 : f32 to vector<16xf32>
        %parallel_loop3A_384 = arith.mulf %parallel_loop3A_381, %parallel_loop3A_383 : vector<16xf32>
        %parallel_loop3A_385 = arith.constant 12 : i32
        %parallel_loop3A_386 = arith.constant 0 : i32
        %parallel_loop3A_387 = arith.constant 0 : i32
        %parallel_loop3A_388 = tpu.memref_slice %arg6[%rem3A_65, %parallel_loop3A_386, %parallel_loop3A_387] : memref<2x16x2560xf32, #tpu.memory_space<vmem>> -> memref<1x16x2560xf32, #tpu.memory_space<vmem>>
        %parallel_loop3A_389 = tpu.memref_squeeze %parallel_loop3A_388 : memref<1x16x2560xf32, #tpu.memory_space<vmem>> -> memref<16x2560xf32, #tpu.memory_space<vmem>>
        %parallel_loop3A_390 = arith.index_cast %parallel_loop3A_385 : i32 to index
        %parallel_loop3A_391 = arith.index_cast %parallel_loop3A_108 : i32 to index
        %parallel_loop3A_392 = tpu.vector_load %parallel_loop3A_389[%parallel_loop3A_390, %parallel_loop3A_391] {strides = array<i32>} : memref<16x2560xf32, #tpu.memory_space<vmem>>, vector<1x16xf32>,
        %parallel_loop3A_393 = vector.shape_cast %parallel_loop3A_392 : vector<1x16xf32> to vector<16xf32>
        %parallel_loop3A_394 = vector.shape_cast %parallel_loop3A_384 : vector<16xf32> to vector<1x16xf32>
        tpu.vector_store %parallel_loop3A_389[%parallel_loop3A_390, %parallel_loop3A_391], %parallel_loop3A_394 {strides = array<i32>} : memref<16x2560xf32, #tpu.memory_space<vmem>>, vector<1x16xf32>,
        %parallel_loop3A_395 = arith.constant 13 : i32
        %parallel_loop3A_396 = arith.constant 0 : i32
        %parallel_loop3A_397 = arith.constant 0 : i32
        %parallel_loop3A_398 = tpu.memref_slice %arg6[%rem3A_65, %parallel_loop3A_396, %parallel_loop3A_397] : memref<2x16x2560xf32, #tpu.memory_space<vmem>> -> memref<1x16x2560xf32, #tpu.memory_space<vmem>>
        %parallel_loop3A_399 = tpu.memref_squeeze %parallel_loop3A_398 : memref<1x16x2560xf32, #tpu.memory_space<vmem>> -> memref<16x2560xf32, #tpu.memory_space<vmem>>
        %parallel_loop3A_400 = arith.index_cast %parallel_loop3A_395 : i32 to index
        %parallel_loop3A_401 = arith.index_cast %parallel_loop3A_108 : i32 to index
        %parallel_loop3A_402 = tpu.vector_load %parallel_loop3A_399[%parallel_loop3A_400, %parallel_loop3A_401] {strides = array<i32>} : memref<16x2560xf32, #tpu.memory_space<vmem>>, vector<1x16xf32>,
        %parallel_loop3A_403 = vector.shape_cast %parallel_loop3A_402 : vector<1x16xf32> to vector<16xf32>
        %parallel_loop3A_404 = arith.constant 5.050000e+01 : f32
        %parallel_loop3A_405 = vector.broadcast %parallel_loop3A_404 : f32 to vector<16xf32>
        %parallel_loop3A_406 = arith.mulf %parallel_loop3A_403, %parallel_loop3A_405 : vector<16xf32>
        %parallel_loop3A_407 = arith.constant 13 : i32
        %parallel_loop3A_408 = arith.constant 0 : i32
        %parallel_loop3A_409 = arith.constant 0 : i32
        %parallel_loop3A_410 = tpu.memref_slice %arg6[%rem3A_65, %parallel_loop3A_408, %parallel_loop3A_409] : memref<2x16x2560xf32, #tpu.memory_space<vmem>> -> memref<1x16x2560xf32, #tpu.memory_space<vmem>>
        %parallel_loop3A_411 = tpu.memref_squeeze %parallel_loop3A_410 : memref<1x16x2560xf32, #tpu.memory_space<vmem>> -> memref<16x2560xf32, #tpu.memory_space<vmem>>
        %parallel_loop3A_412 = arith.index_cast %parallel_loop3A_407 : i32 to index
        %parallel_loop3A_413 = arith.index_cast %parallel_loop3A_108 : i32 to index
        %parallel_loop3A_414 = tpu.vector_load %parallel_loop3A_411[%parallel_loop3A_412, %parallel_loop3A_413] {strides = array<i32>} : memref<16x2560xf32, #tpu.memory_space<vmem>>, vector<1x16xf32>,
        %parallel_loop3A_415 = vector.shape_cast %parallel_loop3A_414 : vector<1x16xf32> to vector<16xf32>
        %parallel_loop3A_416 = vector.shape_cast %parallel_loop3A_406 : vector<16xf32> to vector<1x16xf32>
        tpu.vector_store %parallel_loop3A_411[%parallel_loop3A_412, %parallel_loop3A_413], %parallel_loop3A_416 {strides = array<i32>} : memref<16x2560xf32, #tpu.memory_space<vmem>>, vector<1x16xf32>,
        %parallel_loop3A_417 = arith.constant 14 : i32
        %parallel_loop3A_418 = arith.constant 0 : i32
        %parallel_loop3A_419 = arith.constant 0 : i32
        %parallel_loop3A_420 = tpu.memref_slice %arg6[%rem3A_65, %parallel_loop3A_418, %parallel_loop3A_419] : memref<2x16x2560xf32, #tpu.memory_space<vmem>> -> memref<1x16x2560xf32, #tpu.memory_space<vmem>>
        %parallel_loop3A_421 = tpu.memref_squeeze %parallel_loop3A_420 : memref<1x16x2560xf32, #tpu.memory_space<vmem>> -> memref<16x2560xf32, #tpu.memory_space<vmem>>
        %parallel_loop3A_422 = arith.index_cast %parallel_loop3A_417 : i32 to index
        %parallel_loop3A_423 = arith.index_cast %parallel_loop3A_108 : i32 to index
        %parallel_loop3A_424 = tpu.vector_load %parallel_loop3A_421[%parallel_loop3A_422, %parallel_loop3A_423] {strides = array<i32>} : memref<16x2560xf32, #tpu.memory_space<vmem>>, vector<1x16xf32>,
        %parallel_loop3A_425 = vector.shape_cast %parallel_loop3A_424 : vector<1x16xf32> to vector<16xf32>
        %parallel_loop3A_426 = arith.constant 5.050000e+01 : f32
        %parallel_loop3A_427 = vector.broadcast %parallel_loop3A_426 : f32 to vector<16xf32>
        %parallel_loop3A_428 = arith.mulf %parallel_loop3A_425, %parallel_loop3A_427 : vector<16xf32>
        %parallel_loop3A_429 = arith.constant 14 : i32
        %parallel_loop3A_430 = arith.constant 0 : i32
        %parallel_loop3A_431 = arith.constant 0 : i32
        %parallel_loop3A_432 = tpu.memref_slice %arg6[%rem3A_65, %parallel_loop3A_430, %parallel_loop3A_431] : memref<2x16x2560xf32, #tpu.memory_space<vmem>> -> memref<1x16x2560xf32, #tpu.memory_space<vmem>>
        %parallel_loop3A_433 = tpu.memref_squeeze %parallel_loop3A_432 : memref<1x16x2560xf32, #tpu.memory_space<vmem>> -> memref<16x2560xf32, #tpu.memory_space<vmem>>
        %parallel_loop3A_434 = arith.index_cast %parallel_loop3A_429 : i32 to index
        %parallel_loop3A_435 = arith.index_cast %parallel_loop3A_108 : i32 to index
        %parallel_loop3A_436 = tpu.vector_load %parallel_loop3A_433[%parallel_loop3A_434, %parallel_loop3A_435] {strides = array<i32>} : memref<16x2560xf32, #tpu.memory_space<vmem>>, vector<1x16xf32>,
        %parallel_loop3A_437 = vector.shape_cast %parallel_loop3A_436 : vector<1x16xf32> to vector<16xf32>
        %parallel_loop3A_438 = vector.shape_cast %parallel_loop3A_428 : vector<16xf32> to vector<1x16xf32>
        tpu.vector_store %parallel_loop3A_433[%parallel_loop3A_434, %parallel_loop3A_435], %parallel_loop3A_438 {strides = array<i32>} : memref<16x2560xf32, #tpu.memory_space<vmem>>, vector<1x16xf32>,
        %parallel_loop3A_439 = arith.constant 15 : i32
        %parallel_loop3A_440 = arith.constant 0 : i32
        %parallel_loop3A_441 = arith.constant 0 : i32
        %parallel_loop3A_442 = tpu.memref_slice %arg6[%rem3A_65, %parallel_loop3A_440, %parallel_loop3A_441] : memref<2x16x2560xf32, #tpu.memory_space<vmem>> -> memref<1x16x2560xf32, #tpu.memory_space<vmem>>
        %parallel_loop3A_443 = tpu.memref_squeeze %parallel_loop3A_442 : memref<1x16x2560xf32, #tpu.memory_space<vmem>> -> memref<16x2560xf32, #tpu.memory_space<vmem>>
        %parallel_loop3A_444 = arith.index_cast %parallel_loop3A_439 : i32 to index
        %parallel_loop3A_445 = arith.index_cast %parallel_loop3A_108 : i32 to index
        %parallel_loop3A_446 = tpu.vector_load %parallel_loop3A_443[%parallel_loop3A_444, %parallel_loop3A_445] {strides = array<i32>} : memref<16x2560xf32, #tpu.memory_space<vmem>>, vector<1x16xf32>,
        %parallel_loop3A_447 = vector.shape_cast %parallel_loop3A_446 : vector<1x16xf32> to vector<16xf32>
        %parallel_loop3A_448 = arith.constant 5.050000e+01 : f32
        %parallel_loop3A_449 = vector.broadcast %parallel_loop3A_448 : f32 to vector<16xf32>
        %parallel_loop3A_450 = arith.mulf %parallel_loop3A_447, %parallel_loop3A_449 : vector<16xf32>
        %parallel_loop3A_451 = arith.constant 15 : i32
        %parallel_loop3A_452 = arith.constant 0 : i32
        %parallel_loop3A_453 = arith.constant 0 : i32
        %parallel_loop3A_454 = tpu.memref_slice %arg6[%rem3A_65, %parallel_loop3A_452, %parallel_loop3A_453] : memref<2x16x2560xf32, #tpu.memory_space<vmem>> -> memref<1x16x2560xf32, #tpu.memory_space<vmem>>
        %parallel_loop3A_455 = tpu.memref_squeeze %parallel_loop3A_454 : memref<1x16x2560xf32, #tpu.memory_space<vmem>> -> memref<16x2560xf32, #tpu.memory_space<vmem>>
        %parallel_loop3A_456 = arith.index_cast %parallel_loop3A_451 : i32 to index
        %parallel_loop3A_457 = arith.index_cast %parallel_loop3A_108 : i32 to index
        %parallel_loop3A_458 = tpu.vector_load %parallel_loop3A_455[%parallel_loop3A_456, %parallel_loop3A_457] {strides = array<i32>} : memref<16x2560xf32, #tpu.memory_space<vmem>>, vector<1x16xf32>,
        %parallel_loop3A_459 = vector.shape_cast %parallel_loop3A_458 : vector<1x16xf32> to vector<16xf32>
        %parallel_loop3A_460 = vector.shape_cast %parallel_loop3A_450 : vector<16xf32> to vector<1x16xf32>
        tpu.vector_store %parallel_loop3A_455[%parallel_loop3A_456, %parallel_loop3A_457], %parallel_loop3A_460 {strides = array<i32>} : memref<16x2560xf32, #tpu.memory_space<vmem>>, vector<1x16xf32>,
      } {sc.loop_unroll_factor = 1 : i64, sc.parallel_access}
      %mul3A_89 = arith.constant 16 : i32
      %mul3A_90 = arith.muli %scan3A_63, %mul3A_89 : i32
      %add3A_91 = arith.addi %mul3A_32, %mul3A_90 : i32
      %dma_start3A_92 = arith.constant 0 : i32
      %dma_start3A_93 = arith.constant 0 : i32
      %dma_start3A_94 = tpu.memref_slice %arg6[%rem3A_65, %dma_start3A_92, %dma_start3A_93] : memref<2x16x2560xf32, #tpu.memory_space<vmem>> -> memref<1x16x2560xf32, #tpu.memory_space<vmem>>
      %dma_start3A_95 = tpu.memref_squeeze %dma_start3A_94 : memref<1x16x2560xf32, #tpu.memory_space<vmem>> -> memref<16x2560xf32, #tpu.memory_space<vmem>>
      %dma_start3A_96 = arith.constant 0 : i32
      %dma_start3A_97 = tpu.memref_slice %arg4[%select_n3A, %add3A_91, %dma_start3A_96] : memref<2x4096x2560xf32, #tpu.memory_space<hbm>> -> memref<1x16x2560xf32, #tpu.memory_space<hbm>>
      %dma_start3A_98 = tpu.memref_squeeze %dma_start3A_97 : memref<1x16x2560xf32, #tpu.memory_space<hbm>> -> memref<16x2560xf32, #tpu.memory_space<hbm>>
      %dma_start3A_99 = arith.constant 0 : i32
      %dma_start3A_100 = tpu.memref_slice %arg4[%select_n3A, %add3A_91, %dma_start3A_99] : memref<2x4096x2560xf32, #tpu.memory_space<hbm>> -> memref<1x16x2560xf32, #tpu.memory_space<hbm>>
      %dma_start3A_101 = tpu.memref_squeeze %dma_start3A_100 : memref<1x16x2560xf32, #tpu.memory_space<hbm>> -> memref<16x2560xf32, #tpu.memory_space<hbm>>
      %dma_start3A_102 = arith.constant 0 : i32
      %dma_start3A_103 = arith.constant 0 : i32
      %dma_start3A_104 = tpu.memref_slice %arg6[%rem3A_65, %dma_start3A_102, %dma_start3A_103] : memref<2x16x2560xf32, #tpu.memory_space<vmem>> -> memref<1x16x2560xf32, #tpu.memory_space<vmem>>
      %dma_start3A_105 = tpu.memref_squeeze %dma_start3A_104 : memref<1x16x2560xf32, #tpu.memory_space<vmem>> -> memref<16x2560xf32, #tpu.memory_space<vmem>>
      tpu.enqueue_dma source(%dma_start3A_105 : memref<16x2560xf32, #tpu.memory_space<vmem>>) target(%dma_start3A_101 : memref<16x2560xf32, #tpu.memory_space<hbm>>) target_semaphore(%arg8 : memref<!tpu.dma_semaphore, #tpu.memory_space<semaphore_mem>>)
    }
    %scan3A_46 = arith.constant 16 : i32
    %add3A_47 = arith.constant 240 : i32
    %add3A_48 = arith.addi %mul3A_32, %add3A_47 : i32
    %dma_wait3A = arith.constant 1 : i32
    %dma_wait3A_49 = arith.constant 0 : i32
    %dma_wait3A_50 = arith.constant 0 : i32
    %dma_wait3A_51 = tpu.memref_slice %arg6[%dma_wait3A, %dma_wait3A_49, %dma_wait3A_50] : memref<2x16x2560xf32, #tpu.memory_space<vmem>> -> memref<1x16x2560xf32, #tpu.memory_space<vmem>>
    %dma_wait3A_52 = tpu.memref_squeeze %dma_wait3A_51 : memref<1x16x2560xf32, #tpu.memory_space<vmem>> -> memref<16x2560xf32, #tpu.memory_space<vmem>>
    %dma_wait3A_53 = arith.constant 0 : i32
    %dma_wait3A_54 = tpu.memref_slice %arg4[%select_n3A, %add3A_48, %dma_wait3A_53] : memref<2x4096x2560xf32, #tpu.memory_space<hbm>> -> memref<1x16x2560xf32, #tpu.memory_space<hbm>>
    %dma_wait3A_55 = tpu.memref_squeeze %dma_wait3A_54 : memref<1x16x2560xf32, #tpu.memory_space<hbm>> -> memref<16x2560xf32, #tpu.memory_space<hbm>>
    %dma_wait3A_56 = arith.constant 0 : i32
    %dma_wait3A_57 = tpu.memref_slice %arg4[%select_n3A, %add3A_48, %dma_wait3A_56] : memref<2x4096x2560xf32, #tpu.memory_space<hbm>> -> memref<1x16x2560xf32, #tpu.memory_space<hbm>>
    %dma_wait3A_58 = tpu.memref_squeeze %dma_wait3A_57 : memref<1x16x2560xf32, #tpu.memory_space<hbm>> -> memref<16x2560xf32, #tpu.memory_space<hbm>>
    %dma_wait3A_59 = arith.constant 0 : i32
    %dma_wait3A_60 = arith.constant 0 : i32
    %dma_wait3A_61 = tpu.memref_slice %arg6[%dma_wait3A, %dma_wait3A_59, %dma_wait3A_60] : memref<2x16x2560xf32, #tpu.memory_space<vmem>> -> memref<1x16x2560xf32, #tpu.memory_space<vmem>>
    %dma_wait3A_62 = tpu.memref_squeeze %dma_wait3A_61 : memref<1x16x2560xf32, #tpu.memory_space<vmem>> -> memref<16x2560xf32, #tpu.memory_space<vmem>>
    tpu.wait_dma2 semaphore(%arg8 : memref<!tpu.dma_semaphore, #tpu.memory_space<semaphore_mem>>) src(%dma_wait3A_62 : memref<16x2560xf32, #tpu.memory_space<vmem>>) dst(%dma_wait3A_58 : memref<16x2560xf32, #tpu.memory_space<hbm>>)
    return
  }
}

</mosaic_0001>

<sc_bundles>
// kernel: kernel.3.cloned.1.call-start
scs
__scs_entry_jumppad:
0x0: {  	(pc) =	sbr.rel $0x88, $3  }
0x1: {  	(tag) =	ssettag $0x0;
	lr =	simm.s32 $0x1  }
0x2: {  	[smem:$0x3F9F] =	sst lr;
	_ =	strace $0xD0000000  }
0x3: {  	_ = 	snop  }
0x4: {  	_ = 	snop  }
0x5: {  	_ = 	snop  }
0x6: {  	_ = 	snop  }
0x7: {  	_ = 	snop  }
__scs_overlays_trampoline_lowered:
0x8: {  	[smem:$0x3FAE] =	sst s0  }
0x9: {  	[smem:$0x3FAF] =	sst s1  }
0xa: {  	[smem:$0x3FB0] =	sst s2  }
0xb: {  	[smem:$0x3FB1] =	sst s3  }
0xc: {  	[smem:$0x3FB2] =	sst s4  }
0xd: {  	[smem:$0x3FB3] =	sst s5  }
0xe: {  	[smem:$0x3FB4] =	sst s6  }
0xf: {  	[smem:$0x3FB5] =	sst s7  }
0x10: {  	[smem:$0x3FB6] =	sst s8  }
0x11: {  	[smem:$0x3FB7] =	sst s9;
	s0 =	simm.s32 @!p0 $0x0  }
0x12: {  	s1 =	sld [smem:$0x3F9D];
	s0 =	simm.s32 @p0 $0x1  }
0x13: {  	[smem:$0x3FB8] =	sst s0;
	s0 =	simm.s32 @!p1 $0x0  }
0x14: {  	s2 =	sld [smem:$0x3F9C];
	s0 =	simm.s32 @p1 $0x1  }
0x15: {  	[smem:$0x3FB9] =	sst s0;
	s0 =	simm.s32 @!p2 $0x0  }
0x16: {  	s3 =	sld [smem:$0x3FDB];
	s0 =	simm.s32 @p2 $0x1  }
0x17: {  	s4 =	simm.s32 $0x1BF5;
	[smem:$0x3FBB] =	sst s0  }
0x18: {  	s0 =	sld [smem:$0x3F9E];
	_ =	swait.ge [sflag:s4], $0x0  }
0x19: {  	s7 =	sld [smem:$0x3F9F]  }
0x1a: {  	s8 =	sadd.s32 $0xFFFFE003, lr  }
0x1b: {  	s9 =	sadd.s32 $0xFFFFFEF7, lr;
	s5 =	simm.s32 $0xFFFFFFFF;
	p2 =	slt.u32 s8, $0xFFFFF086  }
0x1c: {  	p1 =	slt.u32 s9, $0xF7A;
	s5 =	simm.s32 @!p2 $0x0  }
0x1d: {  	s5 =	simm.s32 @p1 $0x1;
	p0 =	seq.s32 s7, s2  }
0x1e: {  	s7 =	smul.u32 @!p0 $0xF7A, s2;
	p2 =	seq.s32 @!p0 s5, $0x0  }
0x1f: {  	s9 =	smul.u32 $0xF7A, s1;
	s8 =	simm.s32 @!p0 $0x1BF5;
	p2 =	por !p2, p0  }
0x20: {  	[sflag:s8] =	ssyncset.s32 @!p0 $0xFFFFF086;
	s6 =	sadd.s32 @!p0 s3, s7;
	s7 =	simm.s32 @!p0 $0x108  }
0x21: {  	s3 =	sadd.s32 s3, s9;
	s6 =	sadd.s32 @!p0 $0x88, s6;
	s7 =	simm.s32 @p2 $0x1082  }
0x22: {  	[simem:s7], [sflag:s8] =	dma.local @!p0 [hbm:s6], $0xF7A  }
0x23: {  	s9 =	sor.u32 $0xD0000000, s2;
	s6 =	simm.s32 $0x108;
	_ =	swait.ge @!p0 [sflag:s8], $0x0  }
0x24: {  	s3 =	sadd.s32 $0x88, s3;
	s6 =	simm.s32 @!p1 $0x1082;
	[sflag:s4] =	ssyncset.s32 $0xFFFFF086  }
0x25: {  	[simem:s6], [sflag:s4] =	dma.local [hbm:s3], $0xF7A  }
0x26: {  	[smem:$0x3F9F] =	sst s1;
	(tag) =	ssettag s2;
	_ =	strace s9  }
0x27: {  	s1 =	sld [smem:$0x3FAF]  }
0x28: {  	s2 =	sld [smem:$0x3FB0]  }
0x29: {  	s4 =	sld [smem:$0x3FB2]  }
0x2a: {  	p0 =	seq.s32 s5, $0x0;
	s5 =	sld [smem:$0x3FB3]  }
0x2b: {  	s6 =	sld [smem:$0x3FB4]  }
0x2c: {  	s7 =	sld [smem:$0x3FB5]  }
0x2d: {  	s3 =	simm.s32 $0x108;
	s8 =	sld [smem:$0x3FB6]  }
0x2e: {  	s3 =	simm.s32 @!p0 $0x1082;
	s9 =	sld [smem:$0x3FB7]  }
0x2f: {  	lr =	sadd.s32 s0, s3;
	s0 =	sld [smem:$0x3FAE]  }
0x30: {  	s3 =	sld [smem:$0x3FB1]  }
0x31: {  	[smem:$0x3FBA] =	sst s10  }
0x32: {  	s10 =	sld [smem:$0x3FB8];
	_ =	sdelay $0x3  }
0x33: {  	p0 =	seq.s32 s10, $0x1;
	s10 =	sld [smem:$0x3FBA];
	_ =	sdelay $0x3  }
0x34: {  	[smem:$0x3FBA] =	sst s10  }
0x35: {  	s10 =	sld [smem:$0x3FB9];
	_ =	sdelay $0x3  }
0x36: {  	p1 =	seq.s32 s10, $0x1;
	s10 =	sld [smem:$0x3FBA];
	_ =	sdelay $0x3  }
0x37: {  	[smem:$0x3FBA] =	sst s10  }
0x38: {  	s10 =	sld [smem:$0x3FBB]  }
0x39: {  	_ = 	snop;
	(pc) =	sbr.ind lr, $3  }
0x3a: {  	_ = 	snop  }
0x3b: {  	_ = 	snop  }
0x3c: {  	p2 =	seq.s32 s10, $0x1;
	s10 =	sld [smem:$0x3FBA]  }
0x3d: {  	_ =	shalt  }
0x3e: {  	_ =	shalt  }
0x3f: {  	_ =	shalt  }
0x40: {  	_ =	shalt  }
0x41: {  	_ =	shalt  }
0x42: {  	_ =	shalt  }
0x43: {  	_ =	shalt  }
0x44: {  	_ =	shalt  }
0x45: {  	_ =	shalt  }
0x46: {  	_ =	shalt  }
0x47: {  	_ =	shalt  }
0x48: {  	_ =	shalt  }
0x49: {  	_ =	shalt  }
0x4a: {  	_ =	shalt  }
0x4b: {  	_ =	shalt  }
0x4c: {  	_ =	shalt  }
0x4d: {  	_ =	shalt  }
0x4e: {  	_ =	shalt  }
0x4f: {  	_ =	shalt  }
0x50: {  	_ =	shalt  }
0x51: {  	_ =	shalt  }
0x52: {  	_ =	shalt  }
0x53: {  	_ =	shalt  }
0x54: {  	_ =	shalt  }
0x55: {  	_ =	shalt  }
0x56: {  	_ =	shalt  }
0x57: {  	_ =	shalt  }
0x58: {  	_ =	shalt  }
0x59: {  	_ =	shalt  }
0x5a: {  	_ =	shalt  }
0x5b: {  	_ =	shalt  }
0x5c: {  	_ =	shalt  }
0x5d: {  	_ =	shalt  }
0x5e: {  	_ =	shalt  }
0x5f: {  	_ =	shalt  }
0x60: {  	_ =	shalt  }
0x61: {  	_ =	shalt  }
0x62: {  	_ =	shalt  }
0x63: {  	_ =	shalt  }
0x64: {  	_ =	shalt  }
0x65: {  	_ =	shalt  }
0x66: {  	_ =	shalt  }
0x67: {  	_ =	shalt  }
0x68: {  	_ =	shalt  }
0x69: {  	_ =	shalt  }
0x6a: {  	_ =	shalt  }
0x6b: {  	_ =	shalt  }
0x6c: {  	_ =	shalt  }
0x6d: {  	_ =	shalt  }
0x6e: {  	_ =	shalt  }
0x6f: {  	_ =	shalt  }
0x70: {  	_ =	shalt  }
0x71: {  	_ =	shalt  }
0x72: {  	_ =	shalt  }
0x73: {  	_ =	shalt  }
0x74: {  	_ =	shalt  }
0x75: {  	_ =	shalt  }
0x76: {  	_ =	shalt  }
0x77: {  	_ =	shalt  }
0x78: {  	_ =	shalt  }
0x79: {  	_ =	shalt  }
0x7a: {  	_ =	shalt  }
0x7b: {  	_ =	shalt  }
0x7c: {  	_ =	shalt  }
0x7d: {  	_ =	shalt  }
0x7e: {  	_ =	shalt  }
0x7f: {  	_ =	shalt  }
0x80: {  	_ =	shalt  }
0x81: {  	_ =	shalt  }
0x82: {  	_ =	shalt  }
0x83: {  	_ =	shalt  }
0x84: {  	_ =	shalt  }
0x85: {  	_ =	shalt  }
0x86: {  	_ =	shalt  }
0x87: {  	_ =	shalt  }
.Lfunc_end0:
.L_simem_size_0:
called_computation_lowered:
.L_overlay_start_0:
0x88: {  	s2 =	sld [smem:$0x3FD9]  }
0x89: {  	s3 =	sld [smem:$0x3FFE];
	_ =	sdelay $0x1  }
0x8a: {  	s1 =	srdreg.scid  }
0x8b: {  	s0 =	sand.u32 $0x1, s1  }
0x8c: {  	s18 =	sshll.u32 s0, $0xA;
	s2 =	sadd.s32 s3, s2  }
0x8d: {  	s2 =	sadd.s32 s2, s18  }
0x8e: {  	[smem:$0x3FC6] =	sst s2  }
0x8f: {  	_ = 	snop  }
0x90: {  	s2 =	sld [smem:$0x3FC9]  }
0x91: {  	s19 =	sld [smem:$0x3FC8]  }
0x92: {  	s4 =	sld [smem:$0x3FD0];
	(tm) =	ssettm $0x1  }
0x93: {  	s5 =	sld [smem:$0x3FFB];
	_ =	sdelay $0x3  }
0x94: {  	_ =	strace s5  }
0x95: {  	s5 =	sld [smem:$0x3FFC];
	_ =	sdelay $0x3  }
0x96: {  	_ =	strace s5  }
0x97: {  	s5 =	sld [smem:$0x3FFD];
	_ =	sdelay $0x3  }
0x98: {  	_ =	strace s5  }
0x99: {  	_ =	strace $0x8FFFFFFF  }
0x9a: {  	s20 =	sld [smem:$0x3FDB];
	_ =	sdelay $0x1  }
0x9b: {  	s6 =	simm.s32 $_scs_section_size  }
0x9c: {  	s7 =	simm.s32 $_size__tile_overlayer_lowered;
	s8 =	simm.s32 $_tile_overlayer_lowered  }
0x9d: {  	s23 =	simm.s32 $0x1BFF;
	s22 =	sshll.u32 s8, $0x1;
	s5 =	sadd.s32 s6, s20  }
0x9e: {  	s9 =	simm.s32 $0x0;
	s21 =	sshll.u32 s7, $0x1;
	s7 =	sadd.s32 s22, s5  }
0x9f: {  	[timem:s9], [sflag:s23] =	dma.local [hbm:s7], s21  }
0xa0: {  	_ =	swait.ge [sflag:s23], s21  }
0xa1: {  	s6 =	ssub.s32 $0x0, s21;
	[sflag:s23] =	ssyncset.done $0x0  }
0xa2: {  	[sflag:s23] =	ssyncadd.s32 s6;
	_ =	sdelay $0x1  }
0xa3: {  	s24 =	simm.s32 $0x1B8B  }
0xa4: {  	_ =	swait.ge [sflag:s24], $0x1  }
0xa5: {  	[sflag:s24] =	ssyncset.done $0x0  }
0xa6: {  	s25 =	simm.s32 $0x1B8E;
	[sflag:s24] =	ssyncadd.s32 $0xFFFFFFFF  }
0xa7: {  	s26 =	simm.s32 $execute0_lowered;
	[smem:$0x3FD2] =	sst s25  }
0xa8: {  	s6 =	sshll.u32 s26, $0x1;
	_ =	strace $0x80000046;
	[dreg:$0x1] =	wrdreg $0xFFFFFFFF  }
0xa9: {  	s28 =	simm.s32 $_size_execute0_lowered;
	s5 =	sadd.s32 s5, s6;
	[dreg:$0x0] =	wrdreg $0x0  }
0xaa: {  	s6 =	sshll.u32 s28, $0x1;
	[dreg:$0x2] =	wrdreg s5  }
0xab: {  	[dreg:$0x3] =	wrdreg s6  }
0xac: {  	[dreg:$0x4] =	wrdreg $0xC0  }
0xad: {  	_ =	task [dreg:s9], $0x5FFFF  }
0xae: {  	[dreg:$0x1] =	wrdreg $0xFFFFFFFF  }
0xaf: {  	[dreg:$0x0] =	wrdreg $0x60  }
0xb0: {  	[dreg:$0x2] =	wrdreg s2  }
0xb1: {  	[dreg:$0x3] =	wrdreg s19  }
0xb2: {  	[dreg:$0x4] =	wrdreg s4  }
0xb3: {  	[dreg:$0x5] =	wrdreg $0x9  }
0xb4: {  	_ =	task.clear_ibuf [dreg:s9], $0x6FFFF;
	_ =	strace $0x90000046  }
0xb5: {  	s29 =	simm.s32 $0x9;
	_ =	strace $0x80000048  }
0xb6: {  	_ =	swait.ge [sflag:s29], $0x1  }
0xb7: {  	[sflag:s29] =	ssyncadd.s32 $0xFFFFFFFF  }
0xb8: {  	_ =	strace $0x90000048  }
0xb9: {  	_ =	sfence  }
0xba: {  	s30 =	sld [smem:$0x0];
	_ =	sdelay $0x2  }
0xbb: {  	s31 =	sshll.u32 s1, $0xD;
	s1 =	sshrl.u32 s1, $0x2  }
0xbc: {  	s3 =	sand.u32 $0x4000, s31;
	s1 =	sadd.s32 s1, s30  }
0xbd: {  	s0 =	sor.u32 s3, s0;
	s1 =	sshll.u32 s1, $0x11  }
0xbe: {  	s0 =	sor.u32 s1, s0  }
0xbf: {  	s0 =	sadd.s32 $0x8F2B, s0  }
0xc0: {  	[sflag:s0] =	ssyncadd.remote.s32 $0x1  }
0xc1: {  	_ =	sfence.sel $0xFFFF  }
0xc2: {  	[dreg:$0x0] =	wrdreg $0xFFFFFFFF;
	(pc) =	sbr.abs _section_cstart, $3  }
0xc3: {  	[dreg:$0x1] =	wrdreg $0xFFFFFFFF  }
0xc4: {  	_ =	task.clear_ibuf [dreg:s9], $0x2FFFF;
	_ =	strace $0x9FFFFFFF  }
0xc5: {  	(tm) =	ssettm $0x7FFFFFFF  }
tec
execute0_lowered:
.L_overlay_start_1:
0x0: {  	(tag) =	ssettag $0x1  }
0x1: {  	s0 =	rddreg [dreg:$0x0]  }
0x2: {  	s1 =	rddreg [dreg:$0x1]  }
0x3: {  	s3 =	rddreg [dreg:$0x2];
	s4 =	simm.s32 $0x0  }
0x4: {  	s6 =	stileid.u32;
	s2 =	srdreg.scid;
	s20 =	simm.s32 $0x3  }
0x5: {  	s28 =	simm.s32 $0x1;
	s29 =	simm.s32 $0x2;
	s30 =	simm.s32 $0x0  }
0x6: {  	[smem:$0x7FF] =	sst s4;
	s5 =	sshll.u32 s6, $0x1;
	s2 =	sand.u32 $0x1, s2  }
0x7: {  	s6 =	sshrl.u32 s6, $0x3;
	s10 =	sadd.s32 $0x400, s1;
	s11 =	sadd.s32 $0x500, s1  }
0x8: {  	s12 =	sadd.s32 $0x600, s1;
	s13 =	sadd.s32 $0x700, s1;
	s14 =	sadd.s32 $0x800, s1  }
0x9: {  	s15 =	sadd.s32 $0x900, s1;
	_ =	strace $0x80000047;
	s5 =	sand.u32 $0xE, s5  }
0xa: {  	s7 =	ssub.s32 $0x2, s2;
	s31 =	sshll.u32 s6, $0x4;
	s16 =	smul.u32 $0xA00000, s6  }
0xb: {  	s2 =	sor.u32 s2, s5;
	s8 =	sshrl.u32 s7, $0x1;
	s0 =	sadd.s32 s0, s31  }
0xc: {  	v2 =	vlaneseq.u32;
	s9 =	sshll.u32 s2, $0x6;
	s17 =	ssub.s32 s7, s8;
	s5 =	sshll.u32 s2, $0x5  }
0xd: {  	vm0 =	vmmov $0xffff;
	v1 =	vshrl.u32 v2, $0x3;
	s7 =	sadd.s32 $0x100, s1;
	s8 =	sadd.s32 $0x200, s1;
	s0 =	sadd.s32 s9, s0  }
0xe: {  	v0 =	vand.u32 $0x7, v2;
	v2 =	vor.u32 $0x8, v2;
	v1 =	vmul.u32 $0x8, v1;
	s9 =	sadd.s32 $0x300, s1;
	s17 =	smax.u32 s17, $0x1;
	[dreg:$0x4] =	wrdreg s0  }
.LBB2_1:
0xf: {  	s0 =	rddreg [dreg:$0x4];
	s2 =	simm.s32 $0x80;
	s6 =	simm.s32 $0x100  }
0x10: {  	[tilespmem:s4], [sflag:$0x3] =	stream.strided.gather [hbm4b:s0+s2], $0x100, s6, s2, $0x38;
	[tilespmem:$0x14100] =	vst v63  }
0x11: {  	_ =	swait.ge [sflag:s20], $0x100  }
0x12: {  	[sflag:s20] =	ssyncset.done $0x0  }
0x13: {  	[sflag:s20] =	ssyncadd.s32 $0xFFFFFF00  }
0x14: {  	v3 =	vld [tilespmem:$0x0];
	_ =	sdelay $0x4  }
0x15: {  	v4 =	vshrl.u32 v3, $0x3  }
0x16: {  	v4 =	vmul.u32 $0xA0, v4  }
0x17: {  	v3 =	vand.u32 $0x7, v3  }
0x18: {  	v3 =	vor.u32 v3, v4  }
0x19: {  	v4 =	vperm.xlane v3, v0;
	_ =	sdelay $0x1  }
0x1a: {  	v4 =	vadd.s32 v1, v4;
	_ =	sdelay $0x4  }
0x1b: {  	[tilespmem:s6], [sflag:$0x1] =	stream.indirect_vreg.gather [hbm4b:s1+s4], $0x80, v4, vm0, $0xb8;
	[tilespmem:$0x14100] =	vst v63  }
0x1c: {  	s6 =	simm.s32 $0x900  }
0x1d: {  	[tilespmem:s6], [sflag:$0x1] =	stream.indirect_vreg.gather [hbm4b:s7+s4], $0x80, v4, vm0, $0xb8;
	[tilespmem:$0x14100] =	vst v63  }
0x1e: {  	s18 =	simm.s32 $0x1100  }
0x1f: {  	[tilespmem:s18], [sflag:$0x1] =	stream.indirect_vreg.gather [hbm4b:s8+s4], $0x80, v4, vm0, $0xb8;
	[tilespmem:$0x14100] =	vst v63  }
0x20: {  	s19 =	simm.s32 $0x1900  }
0x21: {  	[tilespmem:s19], [sflag:$0x1] =	stream.indirect_vreg.gather [hbm4b:s9+s4], $0x80, v4, vm0, $0xb8;
	[tilespmem:$0x14100] =	vst v63  }
0x22: {  	s21 =	simm.s32 $0x2100  }
0x23: {  	[tilespmem:s21], [sflag:$0x1] =	stream.indirect_vreg.gather [hbm4b:s10+s4], $0x80, v4, vm0, $0xb8;
	[tilespmem:$0x14100] =	vst v63  }
0x24: {  	s22 =	simm.s32 $0x2900  }
0x25: {  	[tilespmem:s22], [sflag:$0x1] =	stream.indirect_vreg.gather [hbm4b:s11+s4], $0x80, v4, vm0, $0xb8;
	[tilespmem:$0x14100] =	vst v63  }
0x26: {  	s23 =	simm.s32 $0x3100  }
0x27: {  	[tilespmem:s23], [sflag:$0x1] =	stream.indirect_vreg.gather [hbm4b:s12+s4], $0x80, v4, vm0, $0xb8;
	[tilespmem:$0x14100] =	vst v63  }
0x28: {  	s24 =	simm.s32 $0x3900;
	v3 =	vperm.xlane v3, v2  }
0x29: {  	[tilespmem:s24], [sflag:$0x1] =	stream.indirect_vreg.gather [hbm4b:s13+s4], $0x80, v4, vm0, $0xb8;
	[tilespmem:$0x14100] =	vst v63  }
0x2a: {  	s25 =	simm.s32 $0x4100;
	v3 =	vadd.s32 v1, v3  }
0x2b: {  	[tilespmem:s25], [sflag:$0x1] =	stream.indirect_vreg.gather [hbm4b:s14+s4], $0x80, v4, vm0, $0xb8;
	[tilespmem:$0x14100] =	vst v63  }
0x2c: {  	s26 =	simm.s32 $0x4900  }
0x2d: {  	[tilespmem:s26], [sflag:$0x1] =	stream.indirect_vreg.gather [hbm4b:s15+s4], $0x80, v4, vm0, $0xb8;
	[tilespmem:$0x14100] =	vst v63  }
0x2e: {  	s2 =	simm.s32 $0x5100  }
0x2f: {  	[tilespmem:s2], [sflag:$0x1] =	stream.indirect_vreg.gather [hbm4b:s1+s4], $0x80, v3, vm0, $0xb8;
	[tilespmem:$0x14100] =	vst v63  }
0x30: {  	s6 =	simm.s32 $0x5900  }
0x31: {  	[tilespmem:s6], [sflag:$0x1] =	stream.indirect_vreg.gather [hbm4b:s7+s4], $0x80, v3, vm0, $0xb8;
	[tilespmem:$0x14100] =	vst v63  }
0x32: {  	s18 =	simm.s32 $0x6100  }
0x33: {  	[tilespmem:s18], [sflag:$0x1] =	stream.indirect_vreg.gather [hbm4b:s8+s4], $0x80, v3, vm0, $0xb8;
	[tilespmem:$0x14100] =	vst v63  }
0x34: {  	s19 =	simm.s32 $0x6900  }
0x35: {  	[tilespmem:s19], [sflag:$0x1] =	stream.indirect_vreg.gather [hbm4b:s9+s4], $0x80, v3, vm0, $0xb8;
	[tilespmem:$0x14100] =	vst v63  }
0x36: {  	s21 =	simm.s32 $0x7100  }
0x37: {  	[tilespmem:s21], [sflag:$0x1] =	stream.indirect_vreg.gather [hbm4b:s10+s4], $0x80, v3, vm0, $0xb8;
	[tilespmem:$0x14100] =	vst v63  }
0x38: {  	s22 =	simm.s32 $0x7900  }
0x39: {  	[tilespmem:s22], [sflag:$0x1] =	stream.indirect_vreg.gather [hbm4b:s11+s4], $0x80, v3, vm0, $0xb8;
	[tilespmem:$0x14100] =	vst v63  }
0x3a: {  	s23 =	simm.s32 $0x8100  }
0x3b: {  	[tilespmem:s23], [sflag:$0x1] =	stream.indirect_vreg.gather [hbm4b:s12+s4], $0x80, v3, vm0, $0xb8;
	[tilespmem:$0x14100] =	vst v63  }
0x3c: {  	s24 =	simm.s32 $0x8900  }
0x3d: {  	[tilespmem:s24], [sflag:$0x1] =	stream.indirect_vreg.gather [hbm4b:s13+s4], $0x80, v3, vm0, $0xb8;
	[tilespmem:$0x14100] =	vst v63  }
0x3e: {  	s25 =	simm.s32 $0x9100  }
0x3f: {  	[tilespmem:s25], [sflag:$0x1] =	stream.indirect_vreg.gather [hbm4b:s14+s4], $0x80, v3, vm0, $0xb8;
	[tilespmem:$0x14100] =	vst v63  }
0x40: {  	s31 =	simm.s32 $0x0;
	s26 =	simm.s32 $0x9900  }
0x41: {  	[tilespmem:s26], [sflag:$0x1] =	stream.indirect_vreg.gather [hbm4b:s15+s4], $0x80, v3, vm0, $0xb8;
	[tilespmem:$0x14100] =	vst v63  }
.LBB2_2:
0x42: {  	p0 =	seq.s32 s31, $0x0  }
0x43: {  	p1 =	seq.s32 @!p0 s31, $0xF  }
0x44: {  	_ =	swait.ge [sflag:s28], $0xA000;
	p1 =	por p0, !p1  }
.Ltmp0:
0x45: {  	[sflag:s28] =	ssyncset.done $0x0;
	(pc) =	sbr.rel @!p1 .LBB2_4-.Ltmp0, $4  }
0x46: {  	s0 =	simm.s32 @!p0 $0x2;
	[sflag:s28] =	ssyncadd.s32 $0xFFFF6000  }
0x47: {  	_ =	swait.ge @!p0 [sflag:s0], $0xA000  }
0x48: {  	[sflag:s0] =	ssyncset.done @!p0 $0x0  }
0x49: {  	s2 =	sand.u32 $0x1, s31;
	[sflag:s0] =	ssyncadd.s32 @!p0 $0xFFFF6000;
	s0 =	simm.s32 @!p0 $0x10  }
0x4a: {  	s0 =	sadd.s32 @!p0 $0x1, s31  }
0x4b: {  	s0 =	simm.s32 @p0 $0x1  }
0x4c: {  	s6 =	sshll.u32 s0, $0x4  }
0x4d: {  	s6 =	sand.u32 $0x3FFFFFF0, s6  }
0x4e: {  	v3 =	vld [tilespmem:s6+$0x0];
	_ =	sdelay $0x4  }
0x4f: {  	v4 =	vshrl.u32 v3, $0x3  }
0x50: {  	v4 =	vmul.u32 $0xA0, v4  }
0x51: {  	v3 =	vand.u32 $0x7, v3  }
0x52: {  	v3 =	vor.u32 v3, v4  }
0x53: {  	v4 =	vperm.xlane v3, v0;
	_ =	sdelay $0x1  }
0x54: {  	s22 =	sxor.u32 $0x1, s2;
	v4 =	vadd.s32 v1, v4  }
0x55: {  	s6 =	smul.u32 $0x28000, s22;
	_ =	sdelay $0x1  }
0x56: {  	s6 =	sshrl.u32 s6, $0x2  }
0x57: {  	s18 =	sor.u32 $0x100, s6  }
0x58: {  	[tilespmem:s18], [sflag:$0x1] =	stream.indirect_vreg.gather [hbm4b:s1+s4], $0x80, v4, vm0, $0xb8;
	[tilespmem:$0x14100] =	vst v63  }
0x59: {  	s23 =	sor.u32 $0x900, s6  }
0x5a: {  	[tilespmem:s23], [sflag:$0x1] =	stream.indirect_vreg.gather [hbm4b:s7+s4], $0x80, v4, vm0, $0xb8;
	[tilespmem:$0x14100] =	vst v63  }
0x5b: {  	s24 =	sor.u32 $0x1100, s6  }
0x5c: {  	[tilespmem:s24], [sflag:$0x1] =	stream.indirect_vreg.gather [hbm4b:s8+s4], $0x80, v4, vm0, $0xb8;
	[tilespmem:$0x14100] =	vst v63  }
0x5d: {  	s25 =	sor.u32 $0x1900, s6  }
0x5e: {  	[tilespmem:s25], [sflag:$0x1] =	stream.indirect_vreg.gather [hbm4b:s9+s4], $0x80, v4, vm0, $0xb8;
	[tilespmem:$0x14100] =	vst v63  }
0x5f: {  	s26 =	sadd.s32 $0x2100, s6  }
0x60: {  	[tilespmem:s26], [sflag:$0x1] =	stream.indirect_vreg.gather [hbm4b:s10+s4], $0x80, v4, vm0, $0xb8;
	[tilespmem:$0x14100] =	vst v63  }
0x61: {  	s19 =	sadd.s32 $0x2900, s6  }
0x62: {  	[tilespmem:s19], [sflag:$0x1] =	stream.indirect_vreg.gather [hbm4b:s11+s4], $0x80, v4, vm0, $0xb8;
	[tilespmem:$0x14100] =	vst v63  }
0x63: {  	s21 =	sadd.s32 $0x3100, s6  }
0x64: {  	[tilespmem:s21], [sflag:$0x1] =	stream.indirect_vreg.gather [hbm4b:s12+s4], $0x80, v4, vm0, $0xb8;
	[tilespmem:$0x14100] =	vst v63  }
0x65: {  	s22 =	sadd.s32 $0x3900, s6;
	v3 =	vperm.xlane v3, v2  }
0x66: {  	[tilespmem:s22], [sflag:$0x1] =	stream.indirect_vreg.gather [hbm4b:s13+s4], $0x80, v4, vm0, $0xb8;
	[tilespmem:$0x14100] =	vst v63  }
0x67: {  	v3 =	vadd.s32 v1, v3;
	s23 =	sadd.s32 $0x4100, s6  }
0x68: {  	[tilespmem:s23], [sflag:$0x1] =	stream.indirect_vreg.gather [hbm4b:s14+s4], $0x80, v4, vm0, $0xb8;
	[tilespmem:$0x14100] =	vst v63  }
0x69: {  	s24 =	sadd.s32 $0x4900, s6  }
0x6a: {  	[tilespmem:s24], [sflag:$0x1] =	stream.indirect_vreg.gather [hbm4b:s15+s4], $0x80, v4, vm0, $0xb8;
	[tilespmem:$0x14100] =	vst v63  }
0x6b: {  	s25 =	sadd.s32 $0x5100, s6  }
0x6c: {  	[tilespmem:s25], [sflag:$0x1] =	stream.indirect_vreg.gather [hbm4b:s1+s4], $0x80, v3, vm0, $0xb8;
	[tilespmem:$0x14100] =	vst v63  }
0x6d: {  	s26 =	sadd.s32 $0x5900, s6  }
0x6e: {  	[tilespmem:s26], [sflag:$0x1] =	stream.indirect_vreg.gather [hbm4b:s7+s4], $0x80, v3, vm0, $0xb8;
	[tilespmem:$0x14100] =	vst v63  }
0x6f: {  	s19 =	sadd.s32 $0x6100, s6  }
0x70: {  	[tilespmem:s19], [sflag:$0x1] =	stream.indirect_vreg.gather [hbm4b:s8+s4], $0x80, v3, vm0, $0xb8;
	[tilespmem:$0x14100] =	vst v63  }
0x71: {  	s21 =	sadd.s32 $0x6900, s6  }
0x72: {  	[tilespmem:s21], [sflag:$0x1] =	stream.indirect_vreg.gather [hbm4b:s9+s4], $0x80, v3, vm0, $0xb8;
	[tilespmem:$0x14100] =	vst v63  }
0x73: {  	s22 =	sadd.s32 $0x7100, s6  }
0x74: {  	[tilespmem:s22], [sflag:$0x1] =	stream.indirect_vreg.gather [hbm4b:s10+s4], $0x80, v3, vm0, $0xb8;
	[tilespmem:$0x14100] =	vst v63  }
0x75: {  	s23 =	sadd.s32 $0x7900, s6  }
0x76: {  	[tilespmem:s23], [sflag:$0x1] =	stream.indirect_vreg.gather [hbm4b:s11+s4], $0x80, v3, vm0, $0xb8;
	[tilespmem:$0x14100] =	vst v63  }
0x77: {  	s24 =	sadd.s32 $0x8100, s6  }
0x78: {  	[tilespmem:s24], [sflag:$0x1] =	stream.indirect_vreg.gather [hbm4b:s12+s4], $0x80, v3, vm0, $0xb8;
	[tilespmem:$0x14100] =	vst v63  }
0x79: {  	s25 =	sadd.s32 $0x8900, s6  }
0x7a: {  	[tilespmem:s25], [sflag:$0x1] =	stream.indirect_vreg.gather [hbm4b:s13+s4], $0x80, v3, vm0, $0xb8;
	[tilespmem:$0x14100] =	vst v63  }
0x7b: {  	s26 =	sadd.s32 $0x9100, s6  }
0x7c: {  	[tilespmem:s26], [sflag:$0x1] =	stream.indirect_vreg.gather [hbm4b:s14+s4], $0x80, v3, vm0, $0xb8;
	[tilespmem:$0x14100] =	vst v63  }
0x7d: {  	s6 =	sadd.s32 $0x9900, s6  }
0x7e: {  	[tilespmem:s6], [sflag:$0x1] =	stream.indirect_vreg.gather [hbm4b:s15+s4], $0x80, v3, vm0, $0xb8;
	[tilespmem:$0x14100] =	vst v63  }
.LBB2_4:
0x7f: {  	s2 =	smul.u32 $0x28000, s2;
	_ =	sdelay $0x1  }
0x80: {  	s6 =	simm.s32 $0x0;
	s2 =	sshrl.u32 s2, $0x2  }
0x81: {  	s18 =	sand.u32 $0x7C00, s6;
	s2 =	sor.u32 $0x100, s2  }
0x82: {  	s21 =	sand.u32 $0x70, s6;
	s18 =	sadd.s32 s18, s2  }
0x83: {  	s18 =	sadd.s32 s21, s18  }
0x84: {  	v3 =	vld [tilespmem:s18+$0x0]  }
0x85: {  	v4 =	vld [tilespmem:s18+$0x80]  }
0x86: {  	v5 =	vld [tilespmem:s18+$0x100]  }
0x87: {  	v6 =	vld [tilespmem:s18+$0x180]  }
0x88: {  	v7 =	vld [tilespmem:s18+$0x200]  }
0x89: {  	v8 =	vld [tilespmem:s18+$0x280];
	v3 =	vmul.f32 $5.050000000e+01, v3  }
0x8a: {  	v9 =	vld [tilespmem:s18+$0x300];
	v4 =	vmul.f32 $5.050000000e+01, v4  }
0x8b: {  	v5 =	vmul.f32 $5.050000000e+01, v5;
	[tilespmem:s18+$0x0] =	vst v3  }
0x8c: {  	[tilespmem:s18+$0x80] =	vst v4;
	v4 =	vmul.f32 $5.050000000e+01, v6  }
0x8d: {  	s23 =	simm.s32 $0x80;
	v3 =	vmov s2;
	[tilespmem:s18+$0x100] =	vst v5;
	v5 =	vmul.f32 $5.050000000e+01, v7  }
0x8e: {  	s22 =	simm.s32 $0x10;
	s6 =	sand.u32 $0x7, s6;
	s21 =	sand.u32 $0x7C00, s23;
	[tilespmem:s18+$0x180] =	vst v4;
	v4 =	vmul.f32 $5.050000000e+01, v8  }
0x8f: {  	s22 =	sand.u32 $0x70, s22;
	s6 =	sshll.u32 s6, $0x4;
	s21 =	sadd.s32 s21, s2;
	[tilespmem:s18+$0x200] =	vst v5;
	v5 =	vmul.f32 $5.050000000e+01, v9  }
0x90: {  	s6 =	sadd.s32 $0x0, s6;
	s21 =	sadd.s32 s22, s21;
	[tilespmem:s18+$0x280] =	vst v4  }
0x91: {  	s6 =	sor.u32 $0x380, s6;
	v10 =	vld [tilespmem:s21+$0x280];
	[tilespmem:s18+$0x300] =	vst v5  }
0x92: {  	v4 =	vld.idx.msk [tilespmem:v3+s6+$0x0 ss:$0x1], $0xffff  }
0x93: {  	v5 =	vld [tilespmem:s21+$0x0]  }
0x94: {  	v6 =	vld [tilespmem:s21+$0x80]  }
0x95: {  	s25 =	simm.s32 $0x100;
	v7 =	vld [tilespmem:s21+$0x100]  }
0x96: {  	s23 =	simm.s32 $0x20;
	s22 =	sand.u32 $0x7C00, s25;
	v8 =	vld [tilespmem:s21+$0x180]  }
0x97: {  	s23 =	sand.u32 $0x70, s23;
	s22 =	sadd.s32 s22, s2;
	v9 =	vld [tilespmem:s21+$0x200];
	v4 =	vmul.f32 $5.050000000e+01, v4  }
0x98: {  	v11 =	vld [tilespmem:s21+$0x300];
	s22 =	sadd.s32 s23, s22;
	v5 =	vmul.f32 $5.050000000e+01, v5  }
0x99: {  	v12 =	vld [tilespmem:s22+$0x80];
	v6 =	vmul.f32 $5.050000000e+01, v6;
	[tilespmem:v3+s6+$0x0 ss:$0x1] =	vst.idx.msk $0xffff, v4  }
0x9a: {  	[tilespmem:s21+$0x0] =	vst v5;
	v4 =	vmul.f32 $5.050000000e+01, v7;
	v5 =	vld [tilespmem:s18+$0x5380]  }
0x9b: {  	[tilespmem:s21+$0x80] =	vst v6;
	v6 =	vmul.f32 $5.050000000e+01, v8;
	v7 =	vld [tilespmem:s18+$0x5000]  }
0x9c: {  	s24 =	simm.s32 $0x1;
	v8 =	vld [tilespmem:s18+$0x5080];
	[tilespmem:s21+$0x100] =	vst v4;
	v4 =	vmul.f32 $5.050000000e+01, v9  }
0x9d: {  	[tilespmem:s21+$0x180] =	vst v6;
	v6 =	vmul.f32 $5.050000000e+01, v10;
	s6 =	sand.u32 $0x7, s24;
	v10 =	vld [tilespmem:s18+$0x5180]  }
0x9e: {  	s6 =	sshll.u32 s6, $0x4;
	v9 =	vld [tilespmem:s18+$0x5100];
	[tilespmem:s21+$0x200] =	vst v4;
	v4 =	vmul.f32 $5.050000000e+01, v11  }
0x9f: {  	[tilespmem:s21+$0x280] =	vst v6;
	v6 =	vld [tilespmem:s18+$0x5200];
	s6 =	sadd.s32 $0x80, s6;
	v5 =	vmul.f32 $5.050000000e+01, v5  }
0xa0: {  	v12 =	vmul.f32 $5.050000000e+01, v12;
	s6 =	sor.u32 $0x380, s6;
	v11 =	vld [tilespmem:s22+$0x0];
	[tilespmem:s21+$0x300] =	vst v4  }
0xa1: {  	v4 =	vmul.f32 $5.050000000e+01, v7;
	[tilespmem:s18+$0x5380] =	vst v5;
	v5 =	vld.idx.msk [tilespmem:v3+s6+$0x0 ss:$0x1], $0xffff  }
0xa2: {  	[tilespmem:s22+$0x80] =	vst v12;
	v7 =	vld [tilespmem:s18+$0x5280];
	v8 =	vmul.f32 $5.050000000e+01, v8  }
0xa3: {  	v9 =	vmul.f32 $5.050000000e+01, v9;
	[tilespmem:s18+$0x5000] =	vst v4;
	v4 =	vld [tilespmem:s18+$0x5300]  }
0xa4: {  	[tilespmem:s18+$0x5080] =	vst v8;
	v8 =	vmul.f32 $5.050000000e+01, v10;
	v10 =	vld [tilespmem:s22+$0x100]  }
0xa5: {  	v6 =	vmul.f32 $5.050000000e+01, v6;
	[tilespmem:s18+$0x5100] =	vst v9;
	v9 =	vld [tilespmem:s22+$0x180]  }
0xa6: {  	[tilespmem:s18+$0x5180] =	vst v8;
	v8 =	vld [tilespmem:s22+$0x200];
	v5 =	vmul.f32 $5.050000000e+01, v5  }
0xa7: {  	[tilespmem:s18+$0x5200] =	vst v6;
	v6 =	vmul.f32 $5.050000000e+01, v11;
	v11 =	vld [tilespmem:s22+$0x280]  }
0xa8: {  	v13 =	vmul.f32 $5.050000000e+01, v7;
	[tilespmem:v3+s6+$0x0 ss:$0x1] =	vst.idx.msk $0xffff, v5;
	v5 =	vld [tilespmem:s22+$0x300]  }
0xa9: {  	[tilespmem:s22+$0x0] =	vst v6;
	v6 =	vmul.f32 $5.050000000e+01, v10;
	v10 =	vld [tilespmem:s21+$0x5380]  }
0xaa: {  	[tilespmem:s18+$0x5280] =	vst v13;
	v9 =	vmul.f32 $5.050000000e+01, v9;
	v60 =	vld [tilespmem:s21+$0x5000]  }
0xab: {  	s23 =	simm.s32 $0x2;
	[tilespmem:s22+$0x100] =	vst v6;
	v6 =	vmul.f32 $5.050000000e+01, v8;
	v8 =	vld [tilespmem:s21+$0x5080]  }
0xac: {  	s26 =	sand.u32 $0x7, s23;
	[tilespmem:s22+$0x180] =	vst v9;
	v9 =	vmul.f32 $5.050000000e+01, v11;
	v11 =	vld [tilespmem:s21+$0x5100]  }
0xad: {  	s6 =	sshll.u32 s26, $0x4;
	[tilespmem:s22+$0x200] =	vst v6;
	v6 =	vld [tilespmem:s21+$0x5180];
	v5 =	vmul.f32 $5.050000000e+01, v5  }
0xae: {  	s24 =	simm.s32 $0x180;
	s6 =	sadd.s32 $0x100, s6;
	[tilespmem:s22+$0x280] =	vst v9;
	v9 =	vld [tilespmem:s21+$0x5200];
	v10 =	vmul.f32 $5.050000000e+01, v10  }
0xaf: {  	s25 =	simm.s32 $0x30;
	s26 =	sand.u32 $0x7C00, s24;
	v61 =	vld [tilespmem:s21+$0x5280];
	s6 =	sor.u32 $0x380, s6;
	[tilespmem:s22+$0x300] =	vst v5;
	v5 =	vmul.f32 $5.050000000e+01, v60  }
0xb0: {  	s25 =	sand.u32 $0x70, s25;
	s26 =	sadd.s32 s26, s2;
	v8 =	vmul.f32 $5.050000000e+01, v8;
	[tilespmem:s21+$0x5380] =	vst v10;
	v7 =	vld.idx.msk [tilespmem:v3+s6+$0x0 ss:$0x1], $0xffff  }
0xb1: {  	s25 =	sadd.s32 s25, s26;
	v62 =	vmul.f32 $5.050000000e+01, v11;
	[tilespmem:s21+$0x5000] =	vst v5;
	v5 =	vld [tilespmem:s21+$0x5300]  }
0xb2: {  	v11 =	vld [tilespmem:s25+$0x0];
	v6 =	vmul.f32 $5.050000000e+01, v6;
	[tilespmem:s21+$0x5080] =	vst v8  }
0xb3: {  	v10 =	vld [tilespmem:s25+$0x80];
	[tilespmem:s21+$0x5100] =	vst v62;
	v63 =	vmul.f32 $5.050000000e+01, v9  }
0xb4: {  	v8 =	vld [tilespmem:s25+$0x100];
	[tilespmem:s21+$0x5180] =	vst v6;
	v6 =	vmul.f32 $5.050000000e+01, v61  }
0xb5: {  	v4 =	vmul.f32 $5.050000000e+01, v4;
	s26 =	simm.s32 $0x40;
	v9 =	vld [tilespmem:s25+$0x180];
	[tilespmem:s21+$0x5200] =	vst v63  }
.LBB2_5:
0xb6: {  	p0 =	sne.s32 s26, $0x9F0;
	v12 =	vld [tilespmem:s25+$0x200];
	v7 =	vmul.f32 $5.050000000e+01, v7;
	[tilespmem:s21+$0x5280] =	vst v6;
	v5 =	vmul.f32 $5.050000000e+01, v5  }
0xb7: {  	v6 =	vmul.f32 $5.050000000e+01, v11;
	v11 =	vld [tilespmem:s25+$0x280];
	[tilespmem:s18+$0x5300] =	vst v4;
	s18 =	smov.u32 s21;
	s21 =	smov.u32 s22;
	s22 =	smov.u32 s25  }
0xb8: {  	v10 =	vmul.f32 $5.050000000e+01, v10;
	v13 =	vld [tilespmem:s22+$0x300];
	[tilespmem:v3+s6+$0x0 ss:$0x1] =	vst.idx.msk $0xffff, v7;
	v4 =	vmov v5  }
0xb9: {  	[tilespmem:s22+$0x0] =	vst v6;
	v5 =	vmul.f32 $5.050000000e+01, v8;
	v6 =	vld [tilespmem:s21+$0x5380]  }
0xba: {  	[tilespmem:s22+$0x80] =	vst v10;
	v7 =	vmul.f32 $5.050000000e+01, v9;
	v8 =	vld [tilespmem:s21+$0x5000]  }
0xbb: {  	s23 =	sadd.s32 $0x1, s23;
	[tilespmem:s22+$0x100] =	vst v5;
	v5 =	vmul.f32 $5.050000000e+01, v12;
	v9 =	vld [tilespmem:s21+$0x5080]  }
0xbc: {  	s6 =	sand.u32 $0x7, s23;
	[tilespmem:s22+$0x180] =	vst v7;
	v7 =	vmul.f32 $5.050000000e+01, v11;
	v10 =	vld [tilespmem:s21+$0x5100]  }
0xbd: {  	s6 =	sshll.u32 s6, $0x4;
	[tilespmem:s22+$0x200] =	vst v5;
	v5 =	vmul.f32 $5.050000000e+01, v13;
	v12 =	vld [tilespmem:s21+$0x5180]  }
0xbe: {  	s6 =	sadd.s32 s6, s24;
	s24 =	sadd.s32 $0x80, s24;
	[tilespmem:s22+$0x280] =	vst v7;
	v13 =	vld [tilespmem:s21+$0x5200];
	v6 =	vmul.f32 $5.050000000e+01, v6  }
0xbf: {  	s25 =	sand.u32 $0x7C00, s24;
	s6 =	sor.u32 $0x380, s6;
	[tilespmem:s22+$0x300] =	vst v5;
	v5 =	vmul.f32 $5.050000000e+01, v8;
	v14 =	vld [tilespmem:s21+$0x5280]  }
0xc0: {  	s19 =	sand.u32 $0x70, s26;
	s25 =	sadd.s32 s25, s2;
	v7 =	vld.idx.msk [tilespmem:v3+s6+$0x0 ss:$0x1], $0xffff;
	v8 =	vmul.f32 $5.050000000e+01, v9;
	[tilespmem:s21+$0x5380] =	vst v6  }
.Ltmp1:
0xc1: {  	s25 =	sadd.s32 s19, s25;
	[tilespmem:s21+$0x5000] =	vst v5;
	v6 =	vmul.f32 $5.050000000e+01, v10;
	v5 =	vld [tilespmem:s21+$0x5300];
	(pc) =	sbr.rel @p0 .LBB2_5-.Ltmp1, $4  }
0xc2: {  	v11 =	vld [tilespmem:s25+$0x0];
	[tilespmem:s21+$0x5080] =	vst v8;
	v9 =	vmul.f32 $5.050000000e+01, v12  }
0xc3: {  	v10 =	vld [tilespmem:s25+$0x80];
	[tilespmem:s21+$0x5100] =	vst v6;
	v12 =	vmul.f32 $5.050000000e+01, v13  }
0xc4: {  	v8 =	vld [tilespmem:s25+$0x100];
	[tilespmem:s21+$0x5180] =	vst v9;
	v6 =	vmul.f32 $5.050000000e+01, v14  }
0xc5: {  	s26 =	sadd.s32 $0x10, s26;
	v9 =	vld [tilespmem:s25+$0x180];
	[tilespmem:s21+$0x5200] =	vst v12  }
0xc6: {  	_ =	sdelay $0x1  }
0xc7: {  	v12 =	vld [tilespmem:s25+$0x200];
	v7 =	vmul.f32 $5.050000000e+01, v7  }
0xc8: {  	v13 =	vld [tilespmem:s25+$0x280];
	v11 =	vmul.f32 $5.050000000e+01, v11  }
0xc9: {  	v14 =	vld [tilespmem:s25+$0x300];
	v10 =	vmul.f32 $5.050000000e+01, v10;
	[tilespmem:v3+s6+$0x0 ss:$0x1] =	vst.idx.msk $0xffff, v7  }
0xca: {  	[tilespmem:s25+$0x0] =	vst v11;
	v34 =	vmul.f32 $5.050000000e+01, v8  }
0xcb: {  	[tilespmem:s25+$0x80] =	vst v10;
	v35 =	vmul.f32 $5.050000000e+01, v9  }
0xcc: {  	s23 =	sadd.s32 $0x1, s23;
	[tilespmem:s25+$0x100] =	vst v34;
	v36 =	vmul.f32 $5.050000000e+01, v12  }
0xcd: {  	s6 =	sand.u32 $0x7, s23;
	v37 =	vmul.f32 $5.050000000e+01, v13;
	[tilespmem:s25+$0x180] =	vst v35  }
0xce: {  	s6 =	sshll.u32 s6, $0x4;
	v39 =	vmul.f32 $5.050000000e+01, v14;
	[tilespmem:s25+$0x200] =	vst v36  }
0xcf: {  	s6 =	sadd.s32 s6, s24;
	[tilespmem:s25+$0x280] =	vst v37  }
0xd0: {  	v38 =	vld [tilespmem:s22+$0x5380];
	s6 =	sor.u32 $0x380, s6;
	[tilespmem:s25+$0x300] =	vst v39  }
0xd1: {  	v7 =	vld.idx.msk [tilespmem:v3+s6+$0x0 ss:$0x1], $0xffff  }
0xd2: {  	v40 =	vld [tilespmem:s22+$0x5000]  }
0xd3: {  	v41 =	vld [tilespmem:s22+$0x5080]  }
0xd4: {  	[tilespmem:s21+$0x5280] =	vst v6;
	v5 =	vmul.f32 $5.050000000e+01, v5;
	v42 =	vld [tilespmem:s22+$0x5100]  }
0xd5: {  	[tilespmem:s18+$0x5300] =	vst v4;
	v43 =	vld [tilespmem:s22+$0x5180];
	v9 =	vmul.f32 $5.050000000e+01, v38  }
0xd6: {  	[tilespmem:s21+$0x5300] =	vst v5;
	v44 =	vld [tilespmem:s22+$0x5200];
	v7 =	vmul.f32 $5.050000000e+01, v7  }
0xd7: {  	v45 =	vld [tilespmem:s22+$0x5280];
	v10 =	vmul.f32 $5.050000000e+01, v40;
	[tilespmem:s22+$0x5380] =	vst v9  }
0xd8: {  	v46 =	vmul.f32 $5.050000000e+01, v41;
	[tilespmem:v3+s6+$0x0 ss:$0x1] =	vst.idx.msk $0xffff, v7;
	v3 =	vld [tilespmem:s22+$0x5300]  }
0xd9: {  	v47 =	vmul.f32 $5.050000000e+01, v42;
	[tilespmem:s22+$0x5000] =	vst v10;
	v7 =	vld [tilespmem:s25+$0x5380]  }
0xda: {  	v49 =	vmul.f32 $5.050000000e+01, v43;
	[tilespmem:s22+$0x5080] =	vst v46;
	v48 =	vld [tilespmem:s25+$0x5000]  }
0xdb: {  	v51 =	vmul.f32 $5.050000000e+01, v44;
	[tilespmem:s22+$0x5100] =	vst v47;
	v50 =	vld [tilespmem:s25+$0x5080]  }
0xdc: {  	v53 =	vmul.f32 $5.050000000e+01, v45;
	[tilespmem:s22+$0x5180] =	vst v49;
	v52 =	vld [tilespmem:s25+$0x5100]  }
0xdd: {  	[tilespmem:s22+$0x5200] =	vst v51;
	v54 =	vld [tilespmem:s25+$0x5180];
	v3 =	vmul.f32 $5.050000000e+01, v3  }
0xde: {  	[tilespmem:s22+$0x5280] =	vst v53;
	v55 =	vld [tilespmem:s25+$0x5200];
	v7 =	vmul.f32 $5.050000000e+01, v7  }
0xdf: {  	v57 =	vld [tilespmem:s25+$0x5280];
	v56 =	vmul.f32 $5.050000000e+01, v48;
	[tilespmem:s22+$0x5300] =	vst v3  }
0xe0: {  	v60 =	vld [tilespmem:s25+$0x5300];
	v58 =	vmul.f32 $5.050000000e+01, v50;
	[tilespmem:s25+$0x5380] =	vst v7  }
0xe1: {  	s26 =	sshll.u32 s31, $0x1;
	v59 =	vmul.f32 $5.050000000e+01, v52;
	[tilespmem:s25+$0x5000] =	vst v56  }
0xe2: {  	s6 =	sor.u32 s5, s26;
	v61 =	vmul.f32 $5.050000000e+01, v54;
	[tilespmem:s25+$0x5080] =	vst v58  }
0xe3: {  	p0 =	slt.u32 s0, $0x10;
	s6 =	smul.u32 $0x5000, s6;
	v4 =	vmul.f32 $5.050000000e+01, v55;
	[tilespmem:s25+$0x5100] =	vst v59  }
.Ltmp2:
0xe4: {  	v62 =	vmul.f32 $5.050000000e+01, v57;
	[tilespmem:s25+$0x5180] =	vst v61;
	(pc) =	sbr.rel @p0 .LBB2_2-.Ltmp2, $4  }
0xe5: {  	s6 =	sadd.s32 s16, s6;
	v63 =	vmul.f32 $5.050000000e+01, v60;
	[tilespmem:s25+$0x5200] =	vst v4  }
0xe6: {  	s6 =	sshrl.u32 s6, $0x3;
	[tilespmem:s25+$0x5280] =	vst v62  }
0xe7: {  	s31 =	smov.u32 s0;
	s6 =	sadd.s32 s3, s6;
	[tilespmem:s25+$0x5300] =	vst v63  }
0xe8: {  	[hbm4b:s6+s4] =	stream.linear.scatter [tilespmem:s2], [sflag:$0x2], $0xA000, $0x38;
	[tilespmem:$0x14100] =	vst v63  }
0xe9: {  	s30 =	sadd.s32 $0x1, s30  }
0xea: {  	p0 =	sne.s32 s30, s17  }
.Ltmp3:
0xeb: {  	_ = 	snop;
	(pc) =	sbr.rel @p0 .LBB2_1-.Ltmp3, $4  }
0xec: {  	_ = 	snop  }
0xed: {  	_ =	swait.ge [sflag:s29], $0xA000  }
0xee: {  	[sflag:s29] =	ssyncset.done $0x0  }
0xef: {  	[sflag:s29] =	ssyncadd.s32 $0xFFFF6000  }
0xf0: {  	_ =	sfence.sel $0x180000  }
0xf1: {  	[bflag:$0x0] =	sbarrier.arrive $0xFFFF  }
0xf2: {  	_ =	strace $0x90000047  }
0xf3: {  	s0 =	stileid.u32;
	[bflag:$0x2] =	sbarrier.arrive $0xFFFF  }
0xf4: {  	p0 =	sne.s32 s0, $0x0;
	s0 =	rddreg [dreg:$0x3]  }
0xf5: {  	s0 =	sadd.s32 @!p0 $0x100000, s0  }
0xf6: {  	[sflag:s0] =	ssyncadd.tile.s32 @!p0 $0x1;
	_ =	shalt  }
.Lfunc_end2:
_tile_overlayer_lowered:
.L_overlay_start_2:
0xf7: {  	(tag) =	ssettag $0x2  }
0xf8: {  	s0 =	rddreg [dreg:$0x0];
	s2 =	stileid.u32  }
0xf9: {  	s1 =	rddreg [dreg:$0x1];
	p0 =	sne.s32 s2, $0x0  }
0xfa: {  	s3 =	rddreg [dreg:$0x2];
	[bflag:$0x3] =	sbarrier.arrive $0xFFFF;
	s2 =	simm.s32 @!p0 $0x1C03  }
0xfb: {  	[timem:s3], [sflag:s2] =	dma.local @!p0 [hbm:s0], s1  }
0xfc: {  	s0 =	simm.s32 @!p0 $0x3  }
0xfd: {  	_ =	swait.ge @!p0 [sflag:s0], s1  }
0xfe: {  	s1 =	ssub.s32 @!p0 $0x0, s1;
	[sflag:s0] =	ssyncset.done @!p0 $0x0  }
0xff: {  	[sflag:s0] =	ssyncadd.s32 @!p0 s1  }
0x100: {  	[bflag:$0x3] =	sbarrier.arrive $0xFFFF  }
0x101: {  	_ =	shalt  }

</sc_bundles>
